<compile_context>
chip_gen: v7x
topology: tpu7x:2x2x1
jax: 0.10.2.dev20260603
libtpu: 0.0.44.dev20260713+nightly
codegen_flags: <defaults>
</compile_context>

<pallas_src>
import functools

import jax
import jax.numpy as jnp
from jax import lax
from jax.experimental import pallas as pl
from jax.experimental.pallas import tpu as pltpu
from jax.experimental.pallas import tpu_sc as plsc

N_NODES = 10000
N_EDGES = 320000
D_IN = 128
D_HID = 16
D_OUT = 64

NC = 2
NS = 16
NW = NC * NS
CHUNK = 128
CPW = 80
NBUF = 2
CPW0_L1, CPW1_L1 = 84, 76
CPW0_L2, CPW1_L2 = 102, 58
_CPW0_MAX = max(CPW0_L1, CPW0_L2)
N_CHUNKS = CPW * NW
N_CHUNKROWS = N_CHUNKS + (_CPW0_MAX - min(CPW1_L1, CPW1_L2))
E_PAD = N_CHUNKROWS * CHUNK
N_PAD = 10240
RPS = N_PAD // NS

_HIGH = jax.lax.Precision.HIGHEST
_MESH = dict(core_axis_name="c", subcore_axis_name="s")
_DOT = (((1,), (0,)), ((), ()))
_SC_PARAMS = pltpu.CompilerParams(use_tc_tiling_on_sc=False)


def _sc_degree(dst2d):

    @functools.partial(
        pl.kernel,
        out_type=jax.ShapeDtypeStruct((NC, N_PAD, D_HID), jnp.float32),
        mesh=plsc.VectorSubcoreMesh(**_MESH),
        scratch_types=[
            pltpu.VMEM((CPW, CHUNK), jnp.int32),
            pltpu.VMEM((CHUNK, D_HID), jnp.float32),
            pltpu.VMEM_SHARED((N_PAD, D_HID), jnp.float32),
        ],
        compiler_params=_SC_PARAMS,
    )
    def deg_kernel(dst_hbm, out_hbm, di_v, ones_v, acc_sh):
        c = lax.axis_index("c")
        s = lax.axis_index("s")
        w = c * NS + s
        row0 = s * RPS
        pltpu.sync_copy(dst_hbm.at[pl.ds(w * CPW, CPW)], di_v)

        @pl.loop(0, CHUNK)
        def _(i):
            ones_v[i] = jnp.zeros((D_HID,), jnp.float32)

        for k in range(RPS // CHUNK):
            pltpu.sync_copy(ones_v, acc_sh.at[pl.ds(row0 + k * CHUNK, CHUNK)])

        @pl.loop(0, CHUNK)
        def _(i):
            ones_v[i] = jnp.ones((D_HID,), jnp.float32)

        plsc.subcore_barrier()

        @pl.loop(0, CPW)
        def _(i):
            pltpu.sync_copy(ones_v, acc_sh.at[di_v.at[i]], add=True)

        plsc.subcore_barrier()
        pltpu.sync_copy(acc_sh.at[pl.ds(row0, RPS)],
                        out_hbm.at[c, pl.ds(row0, RPS)])

    return deg_kernel(dst2d)


def _sc_scatter(table, src2d, dst2d, d, n0, n1):

    @functools.partial(
        pl.kernel,
        out_type=jax.ShapeDtypeStruct((NC, N_PAD, d), jnp.bfloat16),
        mesh=plsc.VectorSubcoreMesh(**_MESH),
        scratch_types=[
            pltpu.VMEM((n0, CHUNK), jnp.int32),
            pltpu.VMEM((n0, CHUNK), jnp.int32),
            [pltpu.VMEM((CHUNK, d), jnp.bfloat16) for _ in range(NBUF)],
            pltpu.VMEM_SHARED((N_PAD, d), jnp.bfloat16),
            [pltpu.SemaphoreType.DMA for _ in range(NBUF)],
        ],
        compiler_params=_SC_PARAMS,
    )
    def scat_kernel(tab_hbm, src_hbm, dst_hbm, out_hbm,
                    si_v, di_v, bufs, acc_sh, sems):
        c = lax.axis_index("c")
        s = lax.axis_index("s")
        row0 = s * RPS
        my_cpw = lax.select(c == 0, n0, n1)
        base = lax.select(c == 0, s * n0, NS * n0 + s * n1)
        pltpu.sync_copy(src_hbm.at[pl.ds(base, n0)], si_v)
        pltpu.sync_copy(dst_hbm.at[pl.ds(base, n0)], di_v)

        @pl.loop(0, CHUNK // 2)
        def _(i):
            for col in range(d // D_HID):
                bufs[0][pl.ds(2 * i, 2), pl.ds(col * D_HID, D_HID)] = (
                    jnp.zeros((2, D_HID), jnp.bfloat16))

        for k in range(RPS // CHUNK):
            pltpu.sync_copy(bufs[0], acc_sh.at[pl.ds(row0 + k * CHUNK, CHUNK)])
        plsc.subcore_barrier()

        def gather(i, j):
            pltpu.async_copy(tab_hbm.at[si_v.at[i]], bufs[j], sems[j])

        def drain_scatter(i, j):
            pltpu.make_async_copy(tab_hbm.at[si_v.at[i]], bufs[j], sems[j]).wait()
            pltpu.sync_copy(bufs[j], acc_sh.at[di_v.at[i]], add=True)

        for j in range(NBUF):
            gather(j, j)

        @pl.loop(0, my_cpw, step=NBUF)
        def _(i):
            for j in range(NBUF):
                drain_scatter(i + j, j)

                @pl.when(i + j + NBUF < my_cpw)
                def _():
                    gather(i + j + NBUF, j)

        plsc.subcore_barrier()
        pltpu.sync_copy(acc_sh.at[pl.ds(row0, RPS)],
                        out_hbm.at[c, pl.ds(row0, RPS)])

    return scat_kernel(table, src2d, dst2d)


_NB = 1024
_V16 = N_PAD * D_HID // 128
_V64 = N_PAD * D_OUT // 128
_B16 = _NB * D_HID // 128
_B64 = _NB * D_OUT // 128


def _tc_first(x_v, w1k, deg_v):

    def body(x_ref, w_ref, dp_ref, u_ref, hn_ref):
        h1v = lax.dot_general(x_ref[...], w_ref[...], _DOT,
                              preferred_element_type=jnp.float32)
        u = lax.rsqrt(dp_ref[0] + dp_ref[1] + 1.0)
        u_ref[...] = u
        hn_ref[...] = (u * h1v).astype(jnp.bfloat16)

    return pl.pallas_call(
        body,
        grid=(N_PAD // _NB,),
        in_specs=[pl.BlockSpec((_B16, 8 * D_IN), lambda i: (i, 0)),
                  pl.BlockSpec((8 * D_IN, 128), lambda i: (0, 0)),
                  pl.BlockSpec((NC, _B16, 128), lambda i: (0, i, 0))],
        out_specs=[pl.BlockSpec((_B16, 128), lambda i: (i, 0)),
                   pl.BlockSpec((_B16, 128), lambda i: (i, 0))],
        out_shape=[jax.ShapeDtypeStruct((_V16, 128), jnp.float32),
                   jax.ShapeDtypeStruct((_V16, 128), jnp.bfloat16)],
    )(x_v, w1k, deg_v)


def _tc_mid(p1v, hn1v, u16v, b1t, w2k, selk):

    def body(p_ref, hn_ref, u_ref, b_ref, w_ref, sel_ref, hn2_ref, u64_ref):
        s1 = (p_ref[0] + p_ref[1]).astype(jnp.float32) + hn_ref[...].astype(jnp.float32)
        pre = u_ref[...] * s1 + b_ref[...]
        o1v = jnp.maximum(pre, 0.0)
        h2w = lax.dot_general(o1v, w_ref[...], _DOT,
                              preferred_element_type=jnp.float32)
        u64w = lax.dot_general(u_ref[...], sel_ref[...], _DOT, precision=_HIGH,
                               preferred_element_type=jnp.float32)
        u64_ref[...] = jnp.reshape(u64w, (_B64, 128))
        hn2_ref[...] = jnp.reshape((u64w * h2w).astype(jnp.bfloat16), (_B64, 128))

    return pl.pallas_call(
        body,
        grid=(N_PAD // _NB,),
        in_specs=[pl.BlockSpec((NC, _B16, 128), lambda i: (0, i, 0)),
                  pl.BlockSpec((_B16, 128), lambda i: (i, 0)),
                  pl.BlockSpec((_B16, 128), lambda i: (i, 0)),
                  pl.BlockSpec((1, 128), lambda i: (0, 0)),
                  pl.BlockSpec((128, 8 * D_OUT), lambda i: (0, 0)),
                  pl.BlockSpec((128, 8 * D_OUT), lambda i: (0, 0))],
        out_specs=[pl.BlockSpec((_B64, 128), lambda i: (i, 0)),
                   pl.BlockSpec((_B64, 128), lambda i: (i, 0))],
        out_shape=[jax.ShapeDtypeStruct((_V64, 128), jnp.bfloat16),
                   jax.ShapeDtypeStruct((_V64, 128), jnp.float32)],
    )(p1v, hn1v, u16v, b1t, w2k, selk)


_FV = N_NODES * D_OUT // 128
_FB = 1000


def _tc_final(p2v, hn2v, u64v, b2t):

    def body(p_ref, hn_ref, u_ref, b_ref, o_ref):
        s2 = (p_ref[0] + p_ref[1]).astype(jnp.float32) + hn_ref[...].astype(jnp.float32)
        o_ref[...] = u_ref[...] * s2 + b_ref[...]

    return pl.pallas_call(
        body,
        grid=(_FV // _FB,),
        in_specs=[pl.BlockSpec((NC, _FB, 128), lambda i: (0, i, 0)),
                  pl.BlockSpec((_FB, 128), lambda i: (i, 0)),
                  pl.BlockSpec((_FB, 128), lambda i: (i, 0)),
                  pl.BlockSpec((1, 128), lambda i: (0, 0))],
        out_specs=pl.BlockSpec((_FB, 128), lambda i: (i, 0)),
        out_shape=jax.ShapeDtypeStruct((_FV, 128), jnp.float32),
    )(p2v, hn2v, u64v, b2t)


def kernel(x, edge_index, W1, b1, W2, b2):
    src = edge_index[0].astype(jnp.int32)
    dst = edge_index[1].astype(jnp.int32)
    pad = E_PAD - N_EDGES
    sink = N_NODES + (jnp.arange(pad, dtype=jnp.int32) % (N_PAD - N_NODES))
    src2d = jnp.concatenate([src, jnp.zeros((pad,), jnp.int32)]).reshape(N_CHUNKROWS, CHUNK)
    dst2d = jnp.concatenate([dst, sink]).reshape(N_CHUNKROWS, CHUNK)
    x_v = jnp.concatenate(
        [x, jnp.zeros((N_PAD - N_NODES, D_IN), jnp.float32)]).reshape(_V16, 8 * D_IN)
    eye8 = jnp.eye(8, dtype=jnp.float32)
    w1k = jnp.kron(eye8, W1)
    w2k = jnp.kron(eye8, W2)
    selk = jnp.kron(eye8, jnp.zeros((D_HID, D_OUT), jnp.float32).at[0].set(1.0))
    b1t = jnp.tile(b1, 128 // D_HID).reshape(1, 128)
    b2t = jnp.tile(b2, 128 // D_OUT).reshape(1, 128)

    deg_p = _sc_degree(dst2d)
    deg_v = jnp.reshape(deg_p, (NC, _V16, 128))
    u16v, hn1v = _tc_first(x_v, w1k, deg_v)
    p1 = _sc_scatter(hn1v.reshape(N_PAD, D_HID), src2d, dst2d,
                     D_HID, CPW0_L1, CPW1_L1)
    p1v = jnp.reshape(p1, (NC, _V16, 128))
    hn2v, u64v = _tc_mid(p1v, hn1v, u16v, b1t, w2k, selk)
    p2 = _sc_scatter(hn2v.reshape(N_PAD, D_OUT), src2d, dst2d,
                     D_OUT, CPW0_L2, CPW1_L2)
    p2v = jnp.reshape(p2, (NC, _V64, 128))
    out_v = _tc_final(p2v, hn2v, u64v, b2t)
    return jnp.reshape(out_v, (N_NODES, D_OUT))

# --- scband reference (transcript-rebuilt; emitter-appended) ---
"""Pipeline reference for scband-gcnmodel-20349555048560 (READ-ONLY COPY).

The authoritative reference and input builder live on the scoring server;
editing this copy changes nothing except your own understanding.
"""

import jax, jax.numpy as jnp
import numpy as np

N_NODES = 10000
N_EDGES = 320000
D_IN = 128
D_HID = 16
D_OUT = 64


def gcn_conv(x, edge_index, W, b, num_nodes):
    # GCNConv: add self-loops, symmetric normalization, propagate, bias
    src = edge_index[0]
    dst = edge_index[1]
    loop = jnp.arange(num_nodes, dtype=edge_index.dtype)
    src = jnp.concatenate([src, loop])
    dst = jnp.concatenate([dst, loop])
    deg = jnp.zeros((num_nodes,), dtype=x.dtype).at[dst].add(1.0)
    dinv = jnp.where(deg > 0, deg ** -0.5, 0.0)
    norm = dinv[src] * dinv[dst]
    h = x @ W
    msg = h[src] * norm[:, None]
    out = jnp.zeros((num_nodes, W.shape[1]), dtype=x.dtype).at[dst].add(msg)
    return out + b


def setup_inputs(seed: int = 0) -> dict:
    key = jax.random.key(seed)
    k1, k2, k3, k4, k5, k6 = jax.random.split(key, 6)
    x = jax.random.normal(k1, (N_NODES, D_IN), dtype=jnp.float32)
    edge_index = jax.random.randint(k2, (2, N_EDGES), 0, N_NODES, dtype=jnp.int64)
    # glorot-ish init for learned params
    W1 = jax.random.normal(k3, (D_IN, D_HID), dtype=jnp.float32) * (1.0 / np.sqrt(D_IN))
    b1 = jnp.zeros((D_HID,), dtype=jnp.float32)
    W2 = jax.random.normal(k4, (D_HID, D_OUT), dtype=jnp.float32) * (1.0 / np.sqrt(D_HID))
    b2 = jnp.zeros((D_OUT,), dtype=jnp.float32)
    return {"x": x, "edge_index": edge_index, "W1": W1, "b1": b1, "W2": W2, "b2": b2}


def reference(x, edge_index, W1, b1, W2, b2):
    num_nodes = x.shape[0]
    h = gcn_conv(x, edge_index, W1, b1, num_nodes)
    h = jax.nn.relu(h)
    # F.dropout(training=self.training): identity in eval mode
    out = gcn_conv(h, edge_index, W2, b2, num_nodes)
    return out

if __name__ == "__main__":
    import jax
    _d = setup_inputs()
    print(jax.jit(kernel)(*tuple(_d.values())))

</pallas_src>

<mosaic_0001>
#map = affine_map<(d0, d1) -> (0, 0)>
#map1 = affine_map<(d0, d1) -> (0, 0, 0)>
module attributes {stable_mosaic.version = 14 : i64} {
  func.func @scat_kernel(%arg0: i32, %arg1: i32, %arg2: memref<10240x64xbf16, #tpu.memory_space<hbm>>, %arg3: memref<2604x128xi32, #tpu.memory_space<hbm>>, %arg4: memref<2604x128xi32, #tpu.memory_space<hbm>>, %arg5: memref<2x10240x64xbf16, #tpu.memory_space<hbm>>, %arg6: memref<102x128xi32, #tpu.memory_space<vmem>>, %arg7: memref<102x128xi32, #tpu.memory_space<vmem>>, %arg8: memref<128x64xbf16, #tpu.memory_space<vmem>>, %arg9: memref<128x64xbf16, #tpu.memory_space<vmem>>, %arg10: memref<10240x64xbf16, #tpu.memory_space<vmem_shared>>, %arg11: memref<!tpu.dma_semaphore, #tpu.memory_space<semaphore_mem>>, %arg12: memref<!tpu.dma_semaphore, #tpu.memory_space<semaphore_mem>>) attributes {dimension_semantics = [#tpu.dimension_semantics<core_parallel>, #tpu.dimension_semantics<subcore_parallel>], iteration_bounds = array<i64: 2, 16>, scalar_prefetch = 0 : i64, scratch_operands = 7 : i64, tpu.core_type = #tpu.core_type<sc_vector_subcore>, window_params = [{transform_indices = #map}, {transform_indices = #map}, {transform_indices = #map}, {transform_indices = #map1}]} {
    %mul3A = arith.constant 640 : i32
    %mul3A_0 = arith.muli %arg1, %mul3A : i32
    %eq3A = arith.constant 0 : i32
    %eq3A_1 = arith.cmpi eq, %arg0, %eq3A : i32
    %select_n3A = arith.constant 58 : i32
    %select_n3A_2 = arith.constant 102 : i32
    %select_n3A_3 = arith.select %eq3A_1, %select_n3A_2, %select_n3A : i32
    %eq3A_4 = arith.constant 0 : i32
    %eq3A_5 = arith.cmpi eq, %arg0, %eq3A_4 : i32
    %mul3A_6 = arith.constant 102 : i32
    %mul3A_7 = arith.muli %arg1, %mul3A_6 : i32
    %mul3A_8 = arith.constant 58 : i32
    %mul3A_9 = arith.muli %arg1, %mul3A_8 : i32
    %add3A = arith.constant 1632 : i32
    %add3A_10 = arith.addi %add3A, %mul3A_9 : i32
    %select_n3A_11 = arith.select %eq3A_5, %mul3A_7, %add3A_10 : i32
    "tpu.region"() ({
      %run_scoped3A = tpu.sem_alloc : memref<!tpu.dma_semaphore, #tpu.memory_space<semaphore_mem>>
      %dma_start3A_56 = arith.constant 0 : i32
      %dma_start3A_57 = tpu.memref_slice %arg3[%select_n3A_11, %dma_start3A_56] : memref<2604x128xi32, #tpu.memory_space<hbm>> -> memref<102x128xi32, #tpu.memory_space<hbm>>
      %dma_start3A_58 = arith.constant 0 : i32
      %dma_start3A_59 = tpu.memref_slice %arg3[%select_n3A_11, %dma_start3A_58] : memref<2604x128xi32, #tpu.memory_space<hbm>> -> memref<102x128xi32, #tpu.memory_space<hbm>>
      tpu.enqueue_dma source(%dma_start3A_59 : memref<102x128xi32, #tpu.memory_space<hbm>>) target(%arg6 : memref<102x128xi32, #tpu.memory_space<vmem>>) target_semaphore(%run_scoped3A : memref<!tpu.dma_semaphore, #tpu.memory_space<semaphore_mem>>)
      %dma_wait3A = arith.constant 0 : i32
      %dma_wait3A_60 = tpu.memref_slice %arg3[%select_n3A_11, %dma_wait3A] : memref<2604x128xi32, #tpu.memory_space<hbm>> -> memref<102x128xi32, #tpu.memory_space<hbm>>
      %dma_wait3A_61 = arith.constant 0 : i32
      %dma_wait3A_62 = tpu.memref_slice %arg3[%select_n3A_11, %dma_wait3A_61] : memref<2604x128xi32, #tpu.memory_space<hbm>> -> memref<102x128xi32, #tpu.memory_space<hbm>>
      tpu.wait_dma2 semaphore(%run_scoped3A : memref<!tpu.dma_semaphore, #tpu.memory_space<semaphore_mem>>) src(%dma_wait3A_62 : memref<102x128xi32, #tpu.memory_space<hbm>>) dst(%arg6 : memref<102x128xi32, #tpu.memory_space<vmem>>)
      tpu.yield
    }) : () -> ()
    "tpu.region"() ({
      %run_scoped3A = tpu.sem_alloc : memref<!tpu.dma_semaphore, #tpu.memory_space<semaphore_mem>>
      %dma_start3A_56 = arith.constant 0 : i32
      %dma_start3A_57 = tpu.memref_slice %arg4[%select_n3A_11, %dma_start3A_56] : memref<2604x128xi32, #tpu.memory_space<hbm>> -> memref<102x128xi32, #tpu.memory_space<hbm>>
      %dma_start3A_58 = arith.constant 0 : i32
      %dma_start3A_59 = tpu.memref_slice %arg4[%select_n3A_11, %dma_start3A_58] : memref<2604x128xi32, #tpu.memory_space<hbm>> -> memref<102x128xi32, #tpu.memory_space<hbm>>
      tpu.enqueue_dma source(%dma_start3A_59 : memref<102x128xi32, #tpu.memory_space<hbm>>) target(%arg7 : memref<102x128xi32, #tpu.memory_space<vmem>>) target_semaphore(%run_scoped3A : memref<!tpu.dma_semaphore, #tpu.memory_space<semaphore_mem>>)
      %dma_wait3A = arith.constant 0 : i32
      %dma_wait3A_60 = tpu.memref_slice %arg4[%select_n3A_11, %dma_wait3A] : memref<2604x128xi32, #tpu.memory_space<hbm>> -> memref<102x128xi32, #tpu.memory_space<hbm>>
      %dma_wait3A_61 = arith.constant 0 : i32
      %dma_wait3A_62 = tpu.memref_slice %arg4[%select_n3A_11, %dma_wait3A_61] : memref<2604x128xi32, #tpu.memory_space<hbm>> -> memref<102x128xi32, #tpu.memory_space<hbm>>
      tpu.wait_dma2 semaphore(%run_scoped3A : memref<!tpu.dma_semaphore, #tpu.memory_space<semaphore_mem>>) src(%dma_wait3A_62 : memref<102x128xi32, #tpu.memory_space<hbm>>) dst(%arg7 : memref<102x128xi32, #tpu.memory_space<vmem>>)
      tpu.yield
    }) : () -> ()
    %scan3A = arith.constant 0 : i32
    %scan3A_12 = arith.constant 64 : i32
    %scan3A_13 = arith.addi %scan3A, %scan3A_12 : i32
    %scan3A_14 = arith.constant 1 : i32
    scf.for %scan3A_56 = %scan3A to %scan3A_13 step %scan3A_14  : i32 {
      %mul3A_57 = arith.constant 1 : i32
      %mul3A_58 = arith.muli %scan3A_56, %mul3A_57 : i32
      %add3A_59 = arith.constant 0 : i32
      %add3A_60 = arith.addi %add3A_59, %mul3A_58 : i32
      %broadcast_in_dim3A = arith.constant 0.000000e+00 : bf16
      %broadcast_in_dim3A_61 = vector.broadcast %broadcast_in_dim3A : bf16 to vector<2x16xbf16>
      %mul3A_62 = arith.constant 2 : i32
      %mul3A_63 = arith.muli %mul3A_62, %add3A_60 : i32
      %swap3A = arith.index_cast %mul3A_63 : i32 to index
      %swap3A_64 = arith.constant 0 : index
      %swap3A_65 = tpu.vector_load %arg8[%swap3A, %swap3A_64] {strides = array<i32>} : memref<128x64xbf16, #tpu.memory_space<vmem>>, vector<2x16xbf16>,
      %swap3A_66 = vector.shape_cast %swap3A_65 : vector<2x16xbf16> to vector<2x16xbf16>
      %swap3A_67 = vector.shape_cast %broadcast_in_dim3A_61 : vector<2x16xbf16> to vector<2x16xbf16>
      tpu.vector_store %arg8[%swap3A, %swap3A_64], %swap3A_67 {strides = array<i32>} : memref<128x64xbf16, #tpu.memory_space<vmem>>, vector<2x16xbf16>,
      %broadcast_in_dim3A_68 = arith.constant 0.000000e+00 : bf16
      %broadcast_in_dim3A_69 = vector.broadcast %broadcast_in_dim3A_68 : bf16 to vector<2x16xbf16>
      %mul3A_70 = arith.constant 2 : i32
      %mul3A_71 = arith.muli %mul3A_70, %add3A_60 : i32
      %swap3A_72 = arith.index_cast %mul3A_71 : i32 to index
      %swap3A_73 = arith.constant 16 : index
      %swap3A_74 = tpu.vector_load %arg8[%swap3A_72, %swap3A_73] {strides = array<i32>} : memref<128x64xbf16, #tpu.memory_space<vmem>>, vector<2x16xbf16>,
      %swap3A_75 = vector.shape_cast %swap3A_74 : vector<2x16xbf16> to vector<2x16xbf16>
      %swap3A_76 = vector.shape_cast %broadcast_in_dim3A_69 : vector<2x16xbf16> to vector<2x16xbf16>
      tpu.vector_store %arg8[%swap3A_72, %swap3A_73], %swap3A_76 {strides = array<i32>} : memref<128x64xbf16, #tpu.memory_space<vmem>>, vector<2x16xbf16>,
      %broadcast_in_dim3A_77 = arith.constant 0.000000e+00 : bf16
      %broadcast_in_dim3A_78 = vector.broadcast %broadcast_in_dim3A_77 : bf16 to vector<2x16xbf16>
      %mul3A_79 = arith.constant 2 : i32
      %mul3A_80 = arith.muli %mul3A_79, %add3A_60 : i32
      %swap3A_81 = arith.index_cast %mul3A_80 : i32 to index
      %swap3A_82 = arith.constant 32 : index
      %swap3A_83 = tpu.vector_load %arg8[%swap3A_81, %swap3A_82] {strides = array<i32>} : memref<128x64xbf16, #tpu.memory_space<vmem>>, vector<2x16xbf16>,
      %swap3A_84 = vector.shape_cast %swap3A_83 : vector<2x16xbf16> to vector<2x16xbf16>
      %swap3A_85 = vector.shape_cast %broadcast_in_dim3A_78 : vector<2x16xbf16> to vector<2x16xbf16>
      tpu.vector_store %arg8[%swap3A_81, %swap3A_82], %swap3A_85 {strides = array<i32>} : memref<128x64xbf16, #tpu.memory_space<vmem>>, vector<2x16xbf16>,
      %broadcast_in_dim3A_86 = arith.constant 0.000000e+00 : bf16
      %broadcast_in_dim3A_87 = vector.broadcast %broadcast_in_dim3A_86 : bf16 to vector<2x16xbf16>
      %mul3A_88 = arith.constant 2 : i32
      %mul3A_89 = arith.muli %mul3A_88, %add3A_60 : i32
      %swap3A_90 = arith.index_cast %mul3A_89 : i32 to index
      %swap3A_91 = arith.constant 48 : index
      %swap3A_92 = tpu.vector_load %arg8[%swap3A_90, %swap3A_91] {strides = array<i32>} : memref<128x64xbf16, #tpu.memory_space<vmem>>, vector<2x16xbf16>,
      %swap3A_93 = vector.shape_cast %swap3A_92 : vector<2x16xbf16> to vector<2x16xbf16>
      %swap3A_94 = vector.shape_cast %broadcast_in_dim3A_87 : vector<2x16xbf16> to vector<2x16xbf16>
      tpu.vector_store %arg8[%swap3A_90, %swap3A_91], %swap3A_94 {strides = array<i32>} : memref<128x64xbf16, #tpu.memory_space<vmem>>, vector<2x16xbf16>,
    }
    %scan3A_15 = arith.constant 64 : i32
    %add3A_16 = arith.constant 0 : i32
    %add3A_17 = arith.addi %mul3A_0, %add3A_16 : i32
    "tpu.region"() ({
      %run_scoped3A = tpu.sem_alloc : memref<!tpu.dma_semaphore, #tpu.memory_space<semaphore_mem>>
      %dma_start3A_56 = arith.constant 0 : i32
      %dma_start3A_57 = tpu.memref_slice %arg10[%add3A_17, %dma_start3A_56] : memref<10240x64xbf16, #tpu.memory_space<vmem_shared>> -> memref<128x64xbf16, #tpu.memory_space<vmem_shared>>
      %dma_start3A_58 = arith.constant 0 : i32
      %dma_start3A_59 = tpu.memref_slice %arg10[%add3A_17, %dma_start3A_58] : memref<10240x64xbf16, #tpu.memory_space<vmem_shared>> -> memref<128x64xbf16, #tpu.memory_space<vmem_shared>>
      tpu.enqueue_dma source(%arg8 : memref<128x64xbf16, #tpu.memory_space<vmem>>) target(%dma_start3A_59 : memref<128x64xbf16, #tpu.memory_space<vmem_shared>>) target_semaphore(%run_scoped3A : memref<!tpu.dma_semaphore, #tpu.memory_space<semaphore_mem>>)
      %dma_wait3A = arith.constant 0 : i32
      %dma_wait3A_60 = tpu.memref_slice %arg10[%add3A_17, %dma_wait3A] : memref<10240x64xbf16, #tpu.memory_space<vmem_shared>> -> memref<128x64xbf16, #tpu.memory_space<vmem_shared>>
      %dma_wait3A_61 = arith.constant 0 : i32
      %dma_wait3A_62 = tpu.memref_slice %arg10[%add3A_17, %dma_wait3A_61] : memref<10240x64xbf16, #tpu.memory_space<vmem_shared>> -> memref<128x64xbf16, #tpu.memory_space<vmem_shared>>
      tpu.wait_dma2 semaphore(%run_scoped3A : memref<!tpu.dma_semaphore, #tpu.memory_space<semaphore_mem>>) src(%arg8 : memref<128x64xbf16, #tpu.memory_space<vmem>>) dst(%dma_wait3A_62 : memref<128x64xbf16, #tpu.memory_space<vmem_shared>>)
      tpu.yield
    }) : () -> ()
    %add3A_18 = arith.constant 128 : i32
    %add3A_19 = arith.addi %mul3A_0, %add3A_18 : i32
    "tpu.region"() ({
      %run_scoped3A = tpu.sem_alloc : memref<!tpu.dma_semaphore, #tpu.memory_space<semaphore_mem>>
      %dma_start3A_56 = arith.constant 0 : i32
      %dma_start3A_57 = tpu.memref_slice %arg10[%add3A_19, %dma_start3A_56] : memref<10240x64xbf16, #tpu.memory_space<vmem_shared>> -> memref<128x64xbf16, #tpu.memory_space<vmem_shared>>
      %dma_start3A_58 = arith.constant 0 : i32
      %dma_start3A_59 = tpu.memref_slice %arg10[%add3A_19, %dma_start3A_58] : memref<10240x64xbf16, #tpu.memory_space<vmem_shared>> -> memref<128x64xbf16, #tpu.memory_space<vmem_shared>>
      tpu.enqueue_dma source(%arg8 : memref<128x64xbf16, #tpu.memory_space<vmem>>) target(%dma_start3A_59 : memref<128x64xbf16, #tpu.memory_space<vmem_shared>>) target_semaphore(%run_scoped3A : memref<!tpu.dma_semaphore, #tpu.memory_space<semaphore_mem>>)
      %dma_wait3A = arith.constant 0 : i32
      %dma_wait3A_60 = tpu.memref_slice %arg10[%add3A_19, %dma_wait3A] : memref<10240x64xbf16, #tpu.memory_space<vmem_shared>> -> memref<128x64xbf16, #tpu.memory_space<vmem_shared>>
      %dma_wait3A_61 = arith.constant 0 : i32
      %dma_wait3A_62 = tpu.memref_slice %arg10[%add3A_19, %dma_wait3A_61] : memref<10240x64xbf16, #tpu.memory_space<vmem_shared>> -> memref<128x64xbf16, #tpu.memory_space<vmem_shared>>
      tpu.wait_dma2 semaphore(%run_scoped3A : memref<!tpu.dma_semaphore, #tpu.memory_space<semaphore_mem>>) src(%arg8 : memref<128x64xbf16, #tpu.memory_space<vmem>>) dst(%dma_wait3A_62 : memref<128x64xbf16, #tpu.memory_space<vmem_shared>>)
      tpu.yield
    }) : () -> ()
    %add3A_20 = arith.constant 256 : i32
    %add3A_21 = arith.addi %mul3A_0, %add3A_20 : i32
    "tpu.region"() ({
      %run_scoped3A = tpu.sem_alloc : memref<!tpu.dma_semaphore, #tpu.memory_space<semaphore_mem>>
      %dma_start3A_56 = arith.constant 0 : i32
      %dma_start3A_57 = tpu.memref_slice %arg10[%add3A_21, %dma_start3A_56] : memref<10240x64xbf16, #tpu.memory_space<vmem_shared>> -> memref<128x64xbf16, #tpu.memory_space<vmem_shared>>
      %dma_start3A_58 = arith.constant 0 : i32
      %dma_start3A_59 = tpu.memref_slice %arg10[%add3A_21, %dma_start3A_58] : memref<10240x64xbf16, #tpu.memory_space<vmem_shared>> -> memref<128x64xbf16, #tpu.memory_space<vmem_shared>>
      tpu.enqueue_dma source(%arg8 : memref<128x64xbf16, #tpu.memory_space<vmem>>) target(%dma_start3A_59 : memref<128x64xbf16, #tpu.memory_space<vmem_shared>>) target_semaphore(%run_scoped3A : memref<!tpu.dma_semaphore, #tpu.memory_space<semaphore_mem>>)
      %dma_wait3A = arith.constant 0 : i32
      %dma_wait3A_60 = tpu.memref_slice %arg10[%add3A_21, %dma_wait3A] : memref<10240x64xbf16, #tpu.memory_space<vmem_shared>> -> memref<128x64xbf16, #tpu.memory_space<vmem_shared>>
      %dma_wait3A_61 = arith.constant 0 : i32
      %dma_wait3A_62 = tpu.memref_slice %arg10[%add3A_21, %dma_wait3A_61] : memref<10240x64xbf16, #tpu.memory_space<vmem_shared>> -> memref<128x64xbf16, #tpu.memory_space<vmem_shared>>
      tpu.wait_dma2 semaphore(%run_scoped3A : memref<!tpu.dma_semaphore, #tpu.memory_space<semaphore_mem>>) src(%arg8 : memref<128x64xbf16, #tpu.memory_space<vmem>>) dst(%dma_wait3A_62 : memref<128x64xbf16, #tpu.memory_space<vmem_shared>>)
      tpu.yield
    }) : () -> ()
    %add3A_22 = arith.constant 384 : i32
    %add3A_23 = arith.addi %mul3A_0, %add3A_22 : i32
    "tpu.region"() ({
      %run_scoped3A = tpu.sem_alloc : memref<!tpu.dma_semaphore, #tpu.memory_space<semaphore_mem>>
      %dma_start3A_56 = arith.constant 0 : i32
      %dma_start3A_57 = tpu.memref_slice %arg10[%add3A_23, %dma_start3A_56] : memref<10240x64xbf16, #tpu.memory_space<vmem_shared>> -> memref<128x64xbf16, #tpu.memory_space<vmem_shared>>
      %dma_start3A_58 = arith.constant 0 : i32
      %dma_start3A_59 = tpu.memref_slice %arg10[%add3A_23, %dma_start3A_58] : memref<10240x64xbf16, #tpu.memory_space<vmem_shared>> -> memref<128x64xbf16, #tpu.memory_space<vmem_shared>>
      tpu.enqueue_dma source(%arg8 : memref<128x64xbf16, #tpu.memory_space<vmem>>) target(%dma_start3A_59 : memref<128x64xbf16, #tpu.memory_space<vmem_shared>>) target_semaphore(%run_scoped3A : memref<!tpu.dma_semaphore, #tpu.memory_space<semaphore_mem>>)
      %dma_wait3A = arith.constant 0 : i32
      %dma_wait3A_60 = tpu.memref_slice %arg10[%add3A_23, %dma_wait3A] : memref<10240x64xbf16, #tpu.memory_space<vmem_shared>> -> memref<128x64xbf16, #tpu.memory_space<vmem_shared>>
      %dma_wait3A_61 = arith.constant 0 : i32
      %dma_wait3A_62 = tpu.memref_slice %arg10[%add3A_23, %dma_wait3A_61] : memref<10240x64xbf16, #tpu.memory_space<vmem_shared>> -> memref<128x64xbf16, #tpu.memory_space<vmem_shared>>
      tpu.wait_dma2 semaphore(%run_scoped3A : memref<!tpu.dma_semaphore, #tpu.memory_space<semaphore_mem>>) src(%arg8 : memref<128x64xbf16, #tpu.memory_space<vmem>>) dst(%dma_wait3A_62 : memref<128x64xbf16, #tpu.memory_space<vmem_shared>>)
      tpu.yield
    }) : () -> ()
    %add3A_24 = arith.constant 512 : i32
    %add3A_25 = arith.addi %mul3A_0, %add3A_24 : i32
    "tpu.region"() ({
      %run_scoped3A = tpu.sem_alloc : memref<!tpu.dma_semaphore, #tpu.memory_space<semaphore_mem>>
      %dma_start3A_56 = arith.constant 0 : i32
      %dma_start3A_57 = tpu.memref_slice %arg10[%add3A_25, %dma_start3A_56] : memref<10240x64xbf16, #tpu.memory_space<vmem_shared>> -> memref<128x64xbf16, #tpu.memory_space<vmem_shared>>
      %dma_start3A_58 = arith.constant 0 : i32
      %dma_start3A_59 = tpu.memref_slice %arg10[%add3A_25, %dma_start3A_58] : memref<10240x64xbf16, #tpu.memory_space<vmem_shared>> -> memref<128x64xbf16, #tpu.memory_space<vmem_shared>>
      tpu.enqueue_dma source(%arg8 : memref<128x64xbf16, #tpu.memory_space<vmem>>) target(%dma_start3A_59 : memref<128x64xbf16, #tpu.memory_space<vmem_shared>>) target_semaphore(%run_scoped3A : memref<!tpu.dma_semaphore, #tpu.memory_space<semaphore_mem>>)
      %dma_wait3A = arith.constant 0 : i32
      %dma_wait3A_60 = tpu.memref_slice %arg10[%add3A_25, %dma_wait3A] : memref<10240x64xbf16, #tpu.memory_space<vmem_shared>> -> memref<128x64xbf16, #tpu.memory_space<vmem_shared>>
      %dma_wait3A_61 = arith.constant 0 : i32
      %dma_wait3A_62 = tpu.memref_slice %arg10[%add3A_25, %dma_wait3A_61] : memref<10240x64xbf16, #tpu.memory_space<vmem_shared>> -> memref<128x64xbf16, #tpu.memory_space<vmem_shared>>
      tpu.wait_dma2 semaphore(%run_scoped3A : memref<!tpu.dma_semaphore, #tpu.memory_space<semaphore_mem>>) src(%arg8 : memref<128x64xbf16, #tpu.memory_space<vmem>>) dst(%dma_wait3A_62 : memref<128x64xbf16, #tpu.memory_space<vmem_shared>>)
      tpu.yield
    }) : () -> ()
    %barrier3A = arith.constant 0 : index
    tpu.barrier barrier_id(%barrier3A)
    %dma_start3A = arith.constant 0 : i32
    %dma_start3A_26 = arith.constant 0 : i32
    %dma_start3A_27 = tpu.memref_slice %arg6[%dma_start3A, %dma_start3A_26] : memref<102x128xi32, #tpu.memory_space<vmem>> -> memref<1x128xi32, #tpu.memory_space<vmem>>
    %dma_start3A_28 = tpu.memref_squeeze %dma_start3A_27 : memref<1x128xi32, #tpu.memory_space<vmem>> -> memref<128xi32, #tpu.memory_space<vmem>>
    %dma_start3A_29 = arith.constant 0 : i32
    %dma_start3A_30 = arith.constant 0 : i32
    %dma_start3A_31 = tpu.memref_slice %arg2[%dma_start3A_29, %dma_start3A_30] : memref<10240x64xbf16, #tpu.memory_space<hbm>> -> memref<10240x64xbf16, #tpu.memory_space<hbm>>
    tpu.enqueue_indirect_dma source(%dma_start3A_31 : memref<10240x64xbf16, #tpu.memory_space<hbm>>) target(%arg8 : memref<128x64xbf16, #tpu.memory_space<vmem>>) offsets(%dma_start3A_28 : memref<128xi32, #tpu.memory_space<vmem>>) semaphore(%arg11 : memref<!tpu.dma_semaphore, #tpu.memory_space<semaphore_mem>>)
    %dma_start3A_32 = arith.constant 1 : i32
    %dma_start3A_33 = arith.constant 0 : i32
    %dma_start3A_34 = tpu.memref_slice %arg6[%dma_start3A_32, %dma_start3A_33] : memref<102x128xi32, #tpu.memory_space<vmem>> -> memref<1x128xi32, #tpu.memory_space<vmem>>
    %dma_start3A_35 = tpu.memref_squeeze %dma_start3A_34 : memref<1x128xi32, #tpu.memory_space<vmem>> -> memref<128xi32, #tpu.memory_space<vmem>>
    %dma_start3A_36 = arith.constant 0 : i32
    %dma_start3A_37 = arith.constant 0 : i32
    %dma_start3A_38 = tpu.memref_slice %arg2[%dma_start3A_36, %dma_start3A_37] : memref<10240x64xbf16, #tpu.memory_space<hbm>> -> memref<10240x64xbf16, #tpu.memory_space<hbm>>
    tpu.enqueue_indirect_dma source(%dma_start3A_38 : memref<10240x64xbf16, #tpu.memory_space<hbm>>) target(%arg9 : memref<128x64xbf16, #tpu.memory_space<vmem>>) offsets(%dma_start3A_35 : memref<128xi32, #tpu.memory_space<vmem>>) semaphore(%arg12 : memref<!tpu.dma_semaphore, #tpu.memory_space<semaphore_mem>>)
    %sub3A = arith.constant 0 : i32
    %sub3A_39 = arith.subi %select_n3A_3, %sub3A : i32
    %sub3A_40 = arith.constant 2 : i32
    %sub3A_41 = arith.constant 1 : i32
    %sub3A_42 = arith.subi %sub3A_40, %sub3A_41 : i32
    %add3A_43 = arith.addi %sub3A_39, %sub3A_42 : i32
    %div3A = arith.constant 2 : i32
    %div3A_44 = arith.divsi %add3A_43, %div3A : i32
    %while3A = arith.constant 2 : i32
    %while3A_45 = arith.constant 0 : i32
    %while3A_46 = arith.constant 0 : i32
    %while3A_47 = arith.subi %div3A_44, %while3A_46 : i32
    %while3A_48 = arith.addi %while3A_46, %while3A_47 : i32
    %while3A_49 = arith.constant 1 : i32
    %while3A_50 = arith.divsi %while3A_47, %while3A_49 : i32
    %while3A_51 = arith.muli %while3A_50, %while3A_49 : i32
    %while3A_52 = arith.addi %while3A_46, %while3A_51 : i32
    %while3A_53 = arith.constant 1 : i32
    scf.for %while3A_56 = %while3A_46 to %while3A_52 step %while3A_53  : i32 {
      %mul3A_57 = arith.muli %while3A_56, %while3A : i32
      %add3A_58 = arith.addi %while3A_45, %mul3A_57 : i32
      %add3A_59 = arith.constant 0 : i32
      %add3A_60 = arith.addi %add3A_58, %add3A_59 : i32
      %dma_wait3A = arith.constant 0 : i32
      %dma_wait3A_61 = tpu.memref_slice %arg6[%add3A_60, %dma_wait3A] : memref<102x128xi32, #tpu.memory_space<vmem>> -> memref<1x128xi32, #tpu.memory_space<vmem>>
      %dma_wait3A_62 = tpu.memref_squeeze %dma_wait3A_61 : memref<1x128xi32, #tpu.memory_space<vmem>> -> memref<128xi32, #tpu.memory_space<vmem>>
      %dma_wait3A_63 = arith.constant 0 : i32
      %dma_wait3A_64 = arith.constant 0 : i32
      %dma_wait3A_65 = tpu.memref_slice %arg2[%dma_wait3A_63, %dma_wait3A_64] : memref<10240x64xbf16, #tpu.memory_space<hbm>> -> memref<10240x64xbf16, #tpu.memory_space<hbm>>
      tpu.wait_indirect_dma semaphore(%arg11 : memref<!tpu.dma_semaphore, #tpu.memory_space<semaphore_mem>>) src(%dma_wait3A_65 : memref<10240x64xbf16, #tpu.memory_space<hbm>>) dst(%arg8 : memref<128x64xbf16, #tpu.memory_space<vmem>>)
      "tpu.region"() ({
        %run_scoped3A = tpu.sem_alloc : memref<!tpu.dma_semaphore, #tpu.memory_space<semaphore_mem>>
        %dma_start3A_87 = arith.constant 0 : i32
        %dma_start3A_88 = tpu.memref_slice %arg7[%add3A_60, %dma_start3A_87] : memref<102x128xi32, #tpu.memory_space<vmem>> -> memref<1x128xi32, #tpu.memory_space<vmem>>
        %dma_start3A_89 = tpu.memref_squeeze %dma_start3A_88 : memref<1x128xi32, #tpu.memory_space<vmem>> -> memref<128xi32, #tpu.memory_space<vmem>>
        %dma_start3A_90 = arith.constant 0 : i32
        %dma_start3A_91 = arith.constant 0 : i32
        %dma_start3A_92 = tpu.memref_slice %arg10[%dma_start3A_90, %dma_start3A_91] : memref<10240x64xbf16, #tpu.memory_space<vmem_shared>> -> memref<10240x64xbf16, #tpu.memory_space<vmem_shared>>
        tpu.enqueue_indirect_dma source(%arg8 : memref<128x64xbf16, #tpu.memory_space<vmem>>) target(%dma_start3A_92 : memref<10240x64xbf16, #tpu.memory_space<vmem_shared>>) offsets(%dma_start3A_89 : memref<128xi32, #tpu.memory_space<vmem>>) semaphore(%run_scoped3A : memref<!tpu.dma_semaphore, #tpu.memory_space<semaphore_mem>>) {add = true}
        %dma_wait3A_93 = arith.constant 0 : i32
        %dma_wait3A_94 = tpu.memref_slice %arg7[%add3A_60, %dma_wait3A_93] : memref<102x128xi32, #tpu.memory_space<vmem>> -> memref<1x128xi32, #tpu.memory_space<vmem>>
        %dma_wait3A_95 = tpu.memref_squeeze %dma_wait3A_94 : memref<1x128xi32, #tpu.memory_space<vmem>> -> memref<128xi32, #tpu.memory_space<vmem>>
        %dma_wait3A_96 = arith.constant 0 : i32
        %dma_wait3A_97 = arith.constant 0 : i32
        %dma_wait3A_98 = tpu.memref_slice %arg10[%dma_wait3A_96, %dma_wait3A_97] : memref<10240x64xbf16, #tpu.memory_space<vmem_shared>> -> memref<10240x64xbf16, #tpu.memory_space<vmem_shared>>
        tpu.wait_indirect_dma semaphore(%run_scoped3A : memref<!tpu.dma_semaphore, #tpu.memory_space<semaphore_mem>>) src(%arg8 : memref<128x64xbf16, #tpu.memory_space<vmem>>) dst(%dma_wait3A_98 : memref<10240x64xbf16, #tpu.memory_space<vmem_shared>>)
        tpu.yield
      }) : () -> ()
      %add3A_66 = arith.constant 0 : i32
      %add3A_67 = arith.addi %add3A_58, %add3A_66 : i32
      %add3A_68 = arith.constant 2 : i32
      %add3A_69 = arith.addi %add3A_67, %add3A_68 : i32
      %lt3A = arith.cmpi slt, %add3A_69, %select_n3A_3 : i32
      %convert_element_type3A = arith.extui %lt3A : i1 to i32
      %cond3A = arith.constant 0 : i32
      %cond3A_70 = arith.cmpi ne, %convert_element_type3A, %cond3A : i32
      scf.if %cond3A_70 {
        %add3A_87 = arith.constant 0 : i32
        %add3A_88 = arith.addi %add3A_58, %add3A_87 : i32
        %add3A_89 = arith.constant 2 : i32
        %add3A_90 = arith.addi %add3A_88, %add3A_89 : i32
        %dma_start3A_91 = arith.constant 0 : i32
        %dma_start3A_92 = tpu.memref_slice %arg6[%add3A_90, %dma_start3A_91] : memref<102x128xi32, #tpu.memory_space<vmem>> -> memref<1x128xi32, #tpu.memory_space<vmem>>
        %dma_start3A_93 = tpu.memref_squeeze %dma_start3A_92 : memref<1x128xi32, #tpu.memory_space<vmem>> -> memref<128xi32, #tpu.memory_space<vmem>>
        %dma_start3A_94 = arith.constant 0 : i32
        %dma_start3A_95 = arith.constant 0 : i32
        %dma_start3A_96 = tpu.memref_slice %arg2[%dma_start3A_94, %dma_start3A_95] : memref<10240x64xbf16, #tpu.memory_space<hbm>> -> memref<10240x64xbf16, #tpu.memory_space<hbm>>
        tpu.enqueue_indirect_dma source(%dma_start3A_96 : memref<10240x64xbf16, #tpu.memory_space<hbm>>) target(%arg8 : memref<128x64xbf16, #tpu.memory_space<vmem>>) offsets(%dma_start3A_93 : memref<128xi32, #tpu.memory_space<vmem>>) semaphore(%arg11 : memref<!tpu.dma_semaphore, #tpu.memory_space<semaphore_mem>>)
      } else {
      }
      %add3A_71 = arith.constant 1 : i32
      %add3A_72 = arith.addi %add3A_58, %add3A_71 : i32
      %dma_wait3A_73 = arith.constant 0 : i32
      %dma_wait3A_74 = tpu.memref_slice %arg6[%add3A_72, %dma_wait3A_73] : memref<102x128xi32, #tpu.memory_space<vmem>> -> memref<1x128xi32, #tpu.memory_space<vmem>>
      %dma_wait3A_75 = tpu.memref_squeeze %dma_wait3A_74 : memref<1x128xi32, #tpu.memory_space<vmem>> -> memref<128xi32, #tpu.memory_space<vmem>>
      %dma_wait3A_76 = arith.constant 0 : i32
      %dma_wait3A_77 = arith.constant 0 : i32
      %dma_wait3A_78 = tpu.memref_slice %arg2[%dma_wait3A_76, %dma_wait3A_77] : memref<10240x64xbf16, #tpu.memory_space<hbm>> -> memref<10240x64xbf16, #tpu.memory_space<hbm>>
      tpu.wait_indirect_dma semaphore(%arg12 : memref<!tpu.dma_semaphore, #tpu.memory_space<semaphore_mem>>) src(%dma_wait3A_78 : memref<10240x64xbf16, #tpu.memory_space<hbm>>) dst(%arg9 : memref<128x64xbf16, #tpu.memory_space<vmem>>)
      "tpu.region"() ({
        %run_scoped3A = tpu.sem_alloc : memref<!tpu.dma_semaphore, #tpu.memory_space<semaphore_mem>>
        %dma_start3A_87 = arith.constant 0 : i32
        %dma_start3A_88 = tpu.memref_slice %arg7[%add3A_72, %dma_start3A_87] : memref<102x128xi32, #tpu.memory_space<vmem>> -> memref<1x128xi32, #tpu.memory_space<vmem>>
        %dma_start3A_89 = tpu.memref_squeeze %dma_start3A_88 : memref<1x128xi32, #tpu.memory_space<vmem>> -> memref<128xi32, #tpu.memory_space<vmem>>
        %dma_start3A_90 = arith.constant 0 : i32
        %dma_start3A_91 = arith.constant 0 : i32
        %dma_start3A_92 = tpu.memref_slice %arg10[%dma_start3A_90, %dma_start3A_91] : memref<10240x64xbf16, #tpu.memory_space<vmem_shared>> -> memref<10240x64xbf16, #tpu.memory_space<vmem_shared>>
        tpu.enqueue_indirect_dma source(%arg9 : memref<128x64xbf16, #tpu.memory_space<vmem>>) target(%dma_start3A_92 : memref<10240x64xbf16, #tpu.memory_space<vmem_shared>>) offsets(%dma_start3A_89 : memref<128xi32, #tpu.memory_space<vmem>>) semaphore(%run_scoped3A : memref<!tpu.dma_semaphore, #tpu.memory_space<semaphore_mem>>) {add = true}
        %dma_wait3A_93 = arith.constant 0 : i32
        %dma_wait3A_94 = tpu.memref_slice %arg7[%add3A_72, %dma_wait3A_93] : memref<102x128xi32, #tpu.memory_space<vmem>> -> memref<1x128xi32, #tpu.memory_space<vmem>>
        %dma_wait3A_95 = tpu.memref_squeeze %dma_wait3A_94 : memref<1x128xi32, #tpu.memory_space<vmem>> -> memref<128xi32, #tpu.memory_space<vmem>>
        %dma_wait3A_96 = arith.constant 0 : i32
        %dma_wait3A_97 = arith.constant 0 : i32
        %dma_wait3A_98 = tpu.memref_slice %arg10[%dma_wait3A_96, %dma_wait3A_97] : memref<10240x64xbf16, #tpu.memory_space<vmem_shared>> -> memref<10240x64xbf16, #tpu.memory_space<vmem_shared>>
        tpu.wait_indirect_dma semaphore(%run_scoped3A : memref<!tpu.dma_semaphore, #tpu.memory_space<semaphore_mem>>) src(%arg9 : memref<128x64xbf16, #tpu.memory_space<vmem>>) dst(%dma_wait3A_98 : memref<10240x64xbf16, #tpu.memory_space<vmem_shared>>)
        tpu.yield
      }) : () -> ()
      %add3A_79 = arith.constant 1 : i32
      %add3A_80 = arith.addi %add3A_58, %add3A_79 : i32
      %add3A_81 = arith.constant 2 : i32
      %add3A_82 = arith.addi %add3A_80, %add3A_81 : i32
      %lt3A_83 = arith.cmpi slt, %add3A_82, %select_n3A_3 : i32
      %convert_element_type3A_84 = arith.extui %lt3A_83 : i1 to i32
      %cond3A_85 = arith.constant 0 : i32
      %cond3A_86 = arith.cmpi ne, %convert_element_type3A_84, %cond3A_85 : i32
      scf.if %cond3A_86 {
        %add3A_87 = arith.constant 1 : i32
        %add3A_88 = arith.addi %add3A_58, %add3A_87 : i32
        %add3A_89 = arith.constant 2 : i32
        %add3A_90 = arith.addi %add3A_88, %add3A_89 : i32
        %dma_start3A_91 = arith.constant 0 : i32
        %dma_start3A_92 = tpu.memref_slice %arg6[%add3A_90, %dma_start3A_91] : memref<102x128xi32, #tpu.memory_space<vmem>> -> memref<1x128xi32, #tpu.memory_space<vmem>>
        %dma_start3A_93 = tpu.memref_squeeze %dma_start3A_92 : memref<1x128xi32, #tpu.memory_space<vmem>> -> memref<128xi32, #tpu.memory_space<vmem>>
        %dma_start3A_94 = arith.constant 0 : i32
        %dma_start3A_95 = arith.constant 0 : i32
        %dma_start3A_96 = tpu.memref_slice %arg2[%dma_start3A_94, %dma_start3A_95] : memref<10240x64xbf16, #tpu.memory_space<hbm>> -> memref<10240x64xbf16, #tpu.memory_space<hbm>>
        tpu.enqueue_indirect_dma source(%dma_start3A_96 : memref<10240x64xbf16, #tpu.memory_space<hbm>>) target(%arg9 : memref<128x64xbf16, #tpu.memory_space<vmem>>) offsets(%dma_start3A_93 : memref<128xi32, #tpu.memory_space<vmem>>) semaphore(%arg12 : memref<!tpu.dma_semaphore, #tpu.memory_space<semaphore_mem>>)
      } else {
      }
    }
    %while3A_54 = arith.constant 1 : i32
    scf.for %while3A_56 = %while3A_52 to %while3A_48 step %while3A_54  : i32 {
      %mul3A_57 = arith.muli %while3A_56, %while3A : i32
      %add3A_58 = arith.addi %while3A_45, %mul3A_57 : i32
      %add3A_59 = arith.constant 0 : i32
      %add3A_60 = arith.addi %add3A_58, %add3A_59 : i32
      %dma_wait3A = arith.constant 0 : i32
      %dma_wait3A_61 = tpu.memref_slice %arg6[%add3A_60, %dma_wait3A] : memref<102x128xi32, #tpu.memory_space<vmem>> -> memref<1x128xi32, #tpu.memory_space<vmem>>
      %dma_wait3A_62 = tpu.memref_squeeze %dma_wait3A_61 : memref<1x128xi32, #tpu.memory_space<vmem>> -> memref<128xi32, #tpu.memory_space<vmem>>
      %dma_wait3A_63 = arith.constant 0 : i32
      %dma_wait3A_64 = arith.constant 0 : i32
      %dma_wait3A_65 = tpu.memref_slice %arg2[%dma_wait3A_63, %dma_wait3A_64] : memref<10240x64xbf16, #tpu.memory_space<hbm>> -> memref<10240x64xbf16, #tpu.memory_space<hbm>>
      tpu.wait_indirect_dma semaphore(%arg11 : memref<!tpu.dma_semaphore, #tpu.memory_space<semaphore_mem>>) src(%dma_wait3A_65 : memref<10240x64xbf16, #tpu.memory_space<hbm>>) dst(%arg8 : memref<128x64xbf16, #tpu.memory_space<vmem>>)
      "tpu.region"() ({
        %run_scoped3A = tpu.sem_alloc : memref<!tpu.dma_semaphore, #tpu.memory_space<semaphore_mem>>
        %dma_start3A_87 = arith.constant 0 : i32
        %dma_start3A_88 = tpu.memref_slice %arg7[%add3A_60, %dma_start3A_87] : memref<102x128xi32, #tpu.memory_space<vmem>> -> memref<1x128xi32, #tpu.memory_space<vmem>>
        %dma_start3A_89 = tpu.memref_squeeze %dma_start3A_88 : memref<1x128xi32, #tpu.memory_space<vmem>> -> memref<128xi32, #tpu.memory_space<vmem>>
        %dma_start3A_90 = arith.constant 0 : i32
        %dma_start3A_91 = arith.constant 0 : i32
        %dma_start3A_92 = tpu.memref_slice %arg10[%dma_start3A_90, %dma_start3A_91] : memref<10240x64xbf16, #tpu.memory_space<vmem_shared>> -> memref<10240x64xbf16, #tpu.memory_space<vmem_shared>>
        tpu.enqueue_indirect_dma source(%arg8 : memref<128x64xbf16, #tpu.memory_space<vmem>>) target(%dma_start3A_92 : memref<10240x64xbf16, #tpu.memory_space<vmem_shared>>) offsets(%dma_start3A_89 : memref<128xi32, #tpu.memory_space<vmem>>) semaphore(%run_scoped3A : memref<!tpu.dma_semaphore, #tpu.memory_space<semaphore_mem>>) {add = true}
        %dma_wait3A_93 = arith.constant 0 : i32
        %dma_wait3A_94 = tpu.memref_slice %arg7[%add3A_60, %dma_wait3A_93] : memref<102x128xi32, #tpu.memory_space<vmem>> -> memref<1x128xi32, #tpu.memory_space<vmem>>
        %dma_wait3A_95 = tpu.memref_squeeze %dma_wait3A_94 : memref<1x128xi32, #tpu.memory_space<vmem>> -> memref<128xi32, #tpu.memory_space<vmem>>
        %dma_wait3A_96 = arith.constant 0 : i32
        %dma_wait3A_97 = arith.constant 0 : i32
        %dma_wait3A_98 = tpu.memref_slice %arg10[%dma_wait3A_96, %dma_wait3A_97] : memref<10240x64xbf16, #tpu.memory_space<vmem_shared>> -> memref<10240x64xbf16, #tpu.memory_space<vmem_shared>>
        tpu.wait_indirect_dma semaphore(%run_scoped3A : memref<!tpu.dma_semaphore, #tpu.memory_space<semaphore_mem>>) src(%arg8 : memref<128x64xbf16, #tpu.memory_space<vmem>>) dst(%dma_wait3A_98 : memref<10240x64xbf16, #tpu.memory_space<vmem_shared>>)
        tpu.yield
      }) : () -> ()
      %add3A_66 = arith.constant 0 : i32
      %add3A_67 = arith.addi %add3A_58, %add3A_66 : i32
      %add3A_68 = arith.constant 2 : i32
      %add3A_69 = arith.addi %add3A_67, %add3A_68 : i32
      %lt3A = arith.cmpi slt, %add3A_69, %select_n3A_3 : i32
      %convert_element_type3A = arith.extui %lt3A : i1 to i32
      %cond3A = arith.constant 0 : i32
      %cond3A_70 = arith.cmpi ne, %convert_element_type3A, %cond3A : i32
      scf.if %cond3A_70 {
        %add3A_87 = arith.constant 0 : i32
        %add3A_88 = arith.addi %add3A_58, %add3A_87 : i32
        %add3A_89 = arith.constant 2 : i32
        %add3A_90 = arith.addi %add3A_88, %add3A_89 : i32
        %dma_start3A_91 = arith.constant 0 : i32
        %dma_start3A_92 = tpu.memref_slice %arg6[%add3A_90, %dma_start3A_91] : memref<102x128xi32, #tpu.memory_space<vmem>> -> memref<1x128xi32, #tpu.memory_space<vmem>>
        %dma_start3A_93 = tpu.memref_squeeze %dma_start3A_92 : memref<1x128xi32, #tpu.memory_space<vmem>> -> memref<128xi32, #tpu.memory_space<vmem>>
        %dma_start3A_94 = arith.constant 0 : i32
        %dma_start3A_95 = arith.constant 0 : i32
        %dma_start3A_96 = tpu.memref_slice %arg2[%dma_start3A_94, %dma_start3A_95] : memref<10240x64xbf16, #tpu.memory_space<hbm>> -> memref<10240x64xbf16, #tpu.memory_space<hbm>>
        tpu.enqueue_indirect_dma source(%dma_start3A_96 : memref<10240x64xbf16, #tpu.memory_space<hbm>>) target(%arg8 : memref<128x64xbf16, #tpu.memory_space<vmem>>) offsets(%dma_start3A_93 : memref<128xi32, #tpu.memory_space<vmem>>) semaphore(%arg11 : memref<!tpu.dma_semaphore, #tpu.memory_space<semaphore_mem>>)
      } else {
      }
      %add3A_71 = arith.constant 1 : i32
      %add3A_72 = arith.addi %add3A_58, %add3A_71 : i32
      %dma_wait3A_73 = arith.constant 0 : i32
      %dma_wait3A_74 = tpu.memref_slice %arg6[%add3A_72, %dma_wait3A_73] : memref<102x128xi32, #tpu.memory_space<vmem>> -> memref<1x128xi32, #tpu.memory_space<vmem>>
      %dma_wait3A_75 = tpu.memref_squeeze %dma_wait3A_74 : memref<1x128xi32, #tpu.memory_space<vmem>> -> memref<128xi32, #tpu.memory_space<vmem>>
      %dma_wait3A_76 = arith.constant 0 : i32
      %dma_wait3A_77 = arith.constant 0 : i32
      %dma_wait3A_78 = tpu.memref_slice %arg2[%dma_wait3A_76, %dma_wait3A_77] : memref<10240x64xbf16, #tpu.memory_space<hbm>> -> memref<10240x64xbf16, #tpu.memory_space<hbm>>
      tpu.wait_indirect_dma semaphore(%arg12 : memref<!tpu.dma_semaphore, #tpu.memory_space<semaphore_mem>>) src(%dma_wait3A_78 : memref<10240x64xbf16, #tpu.memory_space<hbm>>) dst(%arg9 : memref<128x64xbf16, #tpu.memory_space<vmem>>)
      "tpu.region"() ({
        %run_scoped3A = tpu.sem_alloc : memref<!tpu.dma_semaphore, #tpu.memory_space<semaphore_mem>>
        %dma_start3A_87 = arith.constant 0 : i32
        %dma_start3A_88 = tpu.memref_slice %arg7[%add3A_72, %dma_start3A_87] : memref<102x128xi32, #tpu.memory_space<vmem>> -> memref<1x128xi32, #tpu.memory_space<vmem>>
        %dma_start3A_89 = tpu.memref_squeeze %dma_start3A_88 : memref<1x128xi32, #tpu.memory_space<vmem>> -> memref<128xi32, #tpu.memory_space<vmem>>
        %dma_start3A_90 = arith.constant 0 : i32
        %dma_start3A_91 = arith.constant 0 : i32
        %dma_start3A_92 = tpu.memref_slice %arg10[%dma_start3A_90, %dma_start3A_91] : memref<10240x64xbf16, #tpu.memory_space<vmem_shared>> -> memref<10240x64xbf16, #tpu.memory_space<vmem_shared>>
        tpu.enqueue_indirect_dma source(%arg9 : memref<128x64xbf16, #tpu.memory_space<vmem>>) target(%dma_start3A_92 : memref<10240x64xbf16, #tpu.memory_space<vmem_shared>>) offsets(%dma_start3A_89 : memref<128xi32, #tpu.memory_space<vmem>>) semaphore(%run_scoped3A : memref<!tpu.dma_semaphore, #tpu.memory_space<semaphore_mem>>) {add = true}
        %dma_wait3A_93 = arith.constant 0 : i32
        %dma_wait3A_94 = tpu.memref_slice %arg7[%add3A_72, %dma_wait3A_93] : memref<102x128xi32, #tpu.memory_space<vmem>> -> memref<1x128xi32, #tpu.memory_space<vmem>>
        %dma_wait3A_95 = tpu.memref_squeeze %dma_wait3A_94 : memref<1x128xi32, #tpu.memory_space<vmem>> -> memref<128xi32, #tpu.memory_space<vmem>>
        %dma_wait3A_96 = arith.constant 0 : i32
        %dma_wait3A_97 = arith.constant 0 : i32
        %dma_wait3A_98 = tpu.memref_slice %arg10[%dma_wait3A_96, %dma_wait3A_97] : memref<10240x64xbf16, #tpu.memory_space<vmem_shared>> -> memref<10240x64xbf16, #tpu.memory_space<vmem_shared>>
        tpu.wait_indirect_dma semaphore(%run_scoped3A : memref<!tpu.dma_semaphore, #tpu.memory_space<semaphore_mem>>) src(%arg9 : memref<128x64xbf16, #tpu.memory_space<vmem>>) dst(%dma_wait3A_98 : memref<10240x64xbf16, #tpu.memory_space<vmem_shared>>)
        tpu.yield
      }) : () -> ()
      %add3A_79 = arith.constant 1 : i32
      %add3A_80 = arith.addi %add3A_58, %add3A_79 : i32
      %add3A_81 = arith.constant 2 : i32
      %add3A_82 = arith.addi %add3A_80, %add3A_81 : i32
      %lt3A_83 = arith.cmpi slt, %add3A_82, %select_n3A_3 : i32
      %convert_element_type3A_84 = arith.extui %lt3A_83 : i1 to i32
      %cond3A_85 = arith.constant 0 : i32
      %cond3A_86 = arith.cmpi ne, %convert_element_type3A_84, %cond3A_85 : i32
      scf.if %cond3A_86 {
        %add3A_87 = arith.constant 1 : i32
        %add3A_88 = arith.addi %add3A_58, %add3A_87 : i32
        %add3A_89 = arith.constant 2 : i32
        %add3A_90 = arith.addi %add3A_88, %add3A_89 : i32
        %dma_start3A_91 = arith.constant 0 : i32
        %dma_start3A_92 = tpu.memref_slice %arg6[%add3A_90, %dma_start3A_91] : memref<102x128xi32, #tpu.memory_space<vmem>> -> memref<1x128xi32, #tpu.memory_space<vmem>>
        %dma_start3A_93 = tpu.memref_squeeze %dma_start3A_92 : memref<1x128xi32, #tpu.memory_space<vmem>> -> memref<128xi32, #tpu.memory_space<vmem>>
        %dma_start3A_94 = arith.constant 0 : i32
        %dma_start3A_95 = arith.constant 0 : i32
        %dma_start3A_96 = tpu.memref_slice %arg2[%dma_start3A_94, %dma_start3A_95] : memref<10240x64xbf16, #tpu.memory_space<hbm>> -> memref<10240x64xbf16, #tpu.memory_space<hbm>>
        tpu.enqueue_indirect_dma source(%dma_start3A_96 : memref<10240x64xbf16, #tpu.memory_space<hbm>>) target(%arg9 : memref<128x64xbf16, #tpu.memory_space<vmem>>) offsets(%dma_start3A_93 : memref<128xi32, #tpu.memory_space<vmem>>) semaphore(%arg12 : memref<!tpu.dma_semaphore, #tpu.memory_space<semaphore_mem>>)
      } else {
      }
    }
    %barrier3A_55 = arith.constant 0 : index
    tpu.barrier barrier_id(%barrier3A_55)
    "tpu.region"() ({
      %run_scoped3A = tpu.sem_alloc : memref<!tpu.dma_semaphore, #tpu.memory_space<semaphore_mem>>
      %dma_start3A_56 = arith.constant 0 : i32
      %dma_start3A_57 = tpu.memref_slice %arg5[%arg0, %mul3A_0, %dma_start3A_56] : memref<2x10240x64xbf16, #tpu.memory_space<hbm>> -> memref<1x640x64xbf16, #tpu.memory_space<hbm>>
      %dma_start3A_58 = tpu.memref_squeeze %dma_start3A_57 : memref<1x640x64xbf16, #tpu.memory_space<hbm>> -> memref<640x64xbf16, #tpu.memory_space<hbm>>
      %dma_start3A_59 = arith.constant 0 : i32
      %dma_start3A_60 = tpu.memref_slice %arg10[%mul3A_0, %dma_start3A_59] : memref<10240x64xbf16, #tpu.memory_space<vmem_shared>> -> memref<640x64xbf16, #tpu.memory_space<vmem_shared>>
      tpu.enqueue_dma source(%dma_start3A_60 : memref<640x64xbf16, #tpu.memory_space<vmem_shared>>) target(%dma_start3A_58 : memref<640x64xbf16, #tpu.memory_space<hbm>>) target_semaphore(%run_scoped3A : memref<!tpu.dma_semaphore, #tpu.memory_space<semaphore_mem>>)
      %dma_wait3A = arith.constant 0 : i32
      %dma_wait3A_61 = tpu.memref_slice %arg5[%arg0, %mul3A_0, %dma_wait3A] : memref<2x10240x64xbf16, #tpu.memory_space<hbm>> -> memref<1x640x64xbf16, #tpu.memory_space<hbm>>
      %dma_wait3A_62 = tpu.memref_squeeze %dma_wait3A_61 : memref<1x640x64xbf16, #tpu.memory_space<hbm>> -> memref<640x64xbf16, #tpu.memory_space<hbm>>
      %dma_wait3A_63 = arith.constant 0 : i32
      %dma_wait3A_64 = tpu.memref_slice %arg10[%mul3A_0, %dma_wait3A_63] : memref<10240x64xbf16, #tpu.memory_space<vmem_shared>> -> memref<640x64xbf16, #tpu.memory_space<vmem_shared>>
      tpu.wait_dma2 semaphore(%run_scoped3A : memref<!tpu.dma_semaphore, #tpu.memory_space<semaphore_mem>>) src(%dma_wait3A_64 : memref<640x64xbf16, #tpu.memory_space<vmem_shared>>) dst(%dma_wait3A_62 : memref<640x64xbf16, #tpu.memory_space<hbm>>)
      tpu.yield
    }) : () -> ()
    return
  }
}

#map = affine_map<(d0, d1) -> (0, 0)>
#map1 = affine_map<(d0, d1) -> (0, 0, 0)>
module attributes {stable_mosaic.version = 14 : i64} {
  func.func @scat_kernel(%arg0: i32, %arg1: i32, %arg2: memref<10240x16xbf16, #tpu.memory_space<hbm>>, %arg3: memref<2604x128xi32, #tpu.memory_space<hbm>>, %arg4: memref<2604x128xi32, #tpu.memory_space<hbm>>, %arg5: memref<2x10240x16xbf16, #tpu.memory_space<hbm>>, %arg6: memref<84x128xi32, #tpu.memory_space<vmem>>, %arg7: memref<84x128xi32, #tpu.memory_space<vmem>>, %arg8: memref<128x16xbf16, #tpu.memory_space<vmem>>, %arg9: memref<128x16xbf16, #tpu.memory_space<vmem>>, %arg10: memref<10240x16xbf16, #tpu.memory_space<vmem_shared>>, %arg11: memref<!tpu.dma_semaphore, #tpu.memory_space<semaphore_mem>>, %arg12: memref<!tpu.dma_semaphore, #tpu.memory_space<semaphore_mem>>) attributes {dimension_semantics = [#tpu.dimension_semantics<core_parallel>, #tpu.dimension_semantics<subcore_parallel>], iteration_bounds = array<i64: 2, 16>, scalar_prefetch = 0 : i64, scratch_operands = 7 : i64, tpu.core_type = #tpu.core_type<sc_vector_subcore>, window_params = [{transform_indices = #map}, {transform_indices = #map}, {transform_indices = #map}, {transform_indices = #map1}]} {
    %mul3A = arith.constant 640 : i32
    %mul3A_0 = arith.muli %arg1, %mul3A : i32
    %eq3A = arith.constant 0 : i32
    %eq3A_1 = arith.cmpi eq, %arg0, %eq3A : i32
    %select_n3A = arith.constant 76 : i32
    %select_n3A_2 = arith.constant 84 : i32
    %select_n3A_3 = arith.select %eq3A_1, %select_n3A_2, %select_n3A : i32
    %eq3A_4 = arith.constant 0 : i32
    %eq3A_5 = arith.cmpi eq, %arg0, %eq3A_4 : i32
    %mul3A_6 = arith.constant 84 : i32
    %mul3A_7 = arith.muli %arg1, %mul3A_6 : i32
    %mul3A_8 = arith.constant 76 : i32
    %mul3A_9 = arith.muli %arg1, %mul3A_8 : i32
    %add3A = arith.constant 1344 : i32
    %add3A_10 = arith.addi %add3A, %mul3A_9 : i32
    %select_n3A_11 = arith.select %eq3A_5, %mul3A_7, %add3A_10 : i32
    "tpu.region"() ({
      %run_scoped3A = tpu.sem_alloc : memref<!tpu.dma_semaphore, #tpu.memory_space<semaphore_mem>>
      %dma_start3A_56 = arith.constant 0 : i32
      %dma_start3A_57 = tpu.memref_slice %arg3[%select_n3A_11, %dma_start3A_56] : memref<2604x128xi32, #tpu.memory_space<hbm>> -> memref<84x128xi32, #tpu.memory_space<hbm>>
      %dma_start3A_58 = arith.constant 0 : i32
      %dma_start3A_59 = tpu.memref_slice %arg3[%select_n3A_11, %dma_start3A_58] : memref<2604x128xi32, #tpu.memory_space<hbm>> -> memref<84x128xi32, #tpu.memory_space<hbm>>
      tpu.enqueue_dma source(%dma_start3A_59 : memref<84x128xi32, #tpu.memory_space<hbm>>) target(%arg6 : memref<84x128xi32, #tpu.memory_space<vmem>>) target_semaphore(%run_scoped3A : memref<!tpu.dma_semaphore, #tpu.memory_space<semaphore_mem>>)
      %dma_wait3A = arith.constant 0 : i32
      %dma_wait3A_60 = tpu.memref_slice %arg3[%select_n3A_11, %dma_wait3A] : memref<2604x128xi32, #tpu.memory_space<hbm>> -> memref<84x128xi32, #tpu.memory_space<hbm>>
      %dma_wait3A_61 = arith.constant 0 : i32
      %dma_wait3A_62 = tpu.memref_slice %arg3[%select_n3A_11, %dma_wait3A_61] : memref<2604x128xi32, #tpu.memory_space<hbm>> -> memref<84x128xi32, #tpu.memory_space<hbm>>
      tpu.wait_dma2 semaphore(%run_scoped3A : memref<!tpu.dma_semaphore, #tpu.memory_space<semaphore_mem>>) src(%dma_wait3A_62 : memref<84x128xi32, #tpu.memory_space<hbm>>) dst(%arg6 : memref<84x128xi32, #tpu.memory_space<vmem>>)
      tpu.yield
    }) : () -> ()
    "tpu.region"() ({
      %run_scoped3A = tpu.sem_alloc : memref<!tpu.dma_semaphore, #tpu.memory_space<semaphore_mem>>
      %dma_start3A_56 = arith.constant 0 : i32
      %dma_start3A_57 = tpu.memref_slice %arg4[%select_n3A_11, %dma_start3A_56] : memref<2604x128xi32, #tpu.memory_space<hbm>> -> memref<84x128xi32, #tpu.memory_space<hbm>>
      %dma_start3A_58 = arith.constant 0 : i32
      %dma_start3A_59 = tpu.memref_slice %arg4[%select_n3A_11, %dma_start3A_58] : memref<2604x128xi32, #tpu.memory_space<hbm>> -> memref<84x128xi32, #tpu.memory_space<hbm>>
      tpu.enqueue_dma source(%dma_start3A_59 : memref<84x128xi32, #tpu.memory_space<hbm>>) target(%arg7 : memref<84x128xi32, #tpu.memory_space<vmem>>) target_semaphore(%run_scoped3A : memref<!tpu.dma_semaphore, #tpu.memory_space<semaphore_mem>>)
      %dma_wait3A = arith.constant 0 : i32
      %dma_wait3A_60 = tpu.memref_slice %arg4[%select_n3A_11, %dma_wait3A] : memref<2604x128xi32, #tpu.memory_space<hbm>> -> memref<84x128xi32, #tpu.memory_space<hbm>>
      %dma_wait3A_61 = arith.constant 0 : i32
      %dma_wait3A_62 = tpu.memref_slice %arg4[%select_n3A_11, %dma_wait3A_61] : memref<2604x128xi32, #tpu.memory_space<hbm>> -> memref<84x128xi32, #tpu.memory_space<hbm>>
      tpu.wait_dma2 semaphore(%run_scoped3A : memref<!tpu.dma_semaphore, #tpu.memory_space<semaphore_mem>>) src(%dma_wait3A_62 : memref<84x128xi32, #tpu.memory_space<hbm>>) dst(%arg7 : memref<84x128xi32, #tpu.memory_space<vmem>>)
      tpu.yield
    }) : () -> ()
    %scan3A = arith.constant 0 : i32
    %scan3A_12 = arith.constant 64 : i32
    %scan3A_13 = arith.addi %scan3A, %scan3A_12 : i32
    %scan3A_14 = arith.constant 1 : i32
    scf.for %scan3A_56 = %scan3A to %scan3A_13 step %scan3A_14  : i32 {
      %mul3A_57 = arith.constant 1 : i32
      %mul3A_58 = arith.muli %scan3A_56, %mul3A_57 : i32
      %add3A_59 = arith.constant 0 : i32
      %add3A_60 = arith.addi %add3A_59, %mul3A_58 : i32
      %broadcast_in_dim3A = arith.constant 0.000000e+00 : bf16
      %broadcast_in_dim3A_61 = vector.broadcast %broadcast_in_dim3A : bf16 to vector<2x16xbf16>
      %mul3A_62 = arith.constant 2 : i32
      %mul3A_63 = arith.muli %mul3A_62, %add3A_60 : i32
      %swap3A = arith.index_cast %mul3A_63 : i32 to index
      %swap3A_64 = arith.constant 0 : index
      %swap3A_65 = tpu.vector_load %arg8[%swap3A, %swap3A_64] {strides = array<i32>} : memref<128x16xbf16, #tpu.memory_space<vmem>>, vector<2x16xbf16>,
      %swap3A_66 = vector.shape_cast %swap3A_65 : vector<2x16xbf16> to vector<2x16xbf16>
      %swap3A_67 = vector.shape_cast %broadcast_in_dim3A_61 : vector<2x16xbf16> to vector<2x16xbf16>
      tpu.vector_store %arg8[%swap3A, %swap3A_64], %swap3A_67 {strides = array<i32>} : memref<128x16xbf16, #tpu.memory_space<vmem>>, vector<2x16xbf16>,
    }
    %scan3A_15 = arith.constant 64 : i32
    %add3A_16 = arith.constant 0 : i32
    %add3A_17 = arith.addi %mul3A_0, %add3A_16 : i32
    "tpu.region"() ({
      %run_scoped3A = tpu.sem_alloc : memref<!tpu.dma_semaphore, #tpu.memory_space<semaphore_mem>>
      %dma_start3A_56 = arith.constant 0 : i32
      %dma_start3A_57 = tpu.memref_slice %arg10[%add3A_17, %dma_start3A_56] : memref<10240x16xbf16, #tpu.memory_space<vmem_shared>> -> memref<128x16xbf16, #tpu.memory_space<vmem_shared>>
      %dma_start3A_58 = arith.constant 0 : i32
      %dma_start3A_59 = tpu.memref_slice %arg10[%add3A_17, %dma_start3A_58] : memref<10240x16xbf16, #tpu.memory_space<vmem_shared>> -> memref<128x16xbf16, #tpu.memory_space<vmem_shared>>
      tpu.enqueue_dma source(%arg8 : memref<128x16xbf16, #tpu.memory_space<vmem>>) target(%dma_start3A_59 : memref<128x16xbf16, #tpu.memory_space<vmem_shared>>) target_semaphore(%run_scoped3A : memref<!tpu.dma_semaphore, #tpu.memory_space<semaphore_mem>>)
      %dma_wait3A = arith.constant 0 : i32
      %dma_wait3A_60 = tpu.memref_slice %arg10[%add3A_17, %dma_wait3A] : memref<10240x16xbf16, #tpu.memory_space<vmem_shared>> -> memref<128x16xbf16, #tpu.memory_space<vmem_shared>>
      %dma_wait3A_61 = arith.constant 0 : i32
      %dma_wait3A_62 = tpu.memref_slice %arg10[%add3A_17, %dma_wait3A_61] : memref<10240x16xbf16, #tpu.memory_space<vmem_shared>> -> memref<128x16xbf16, #tpu.memory_space<vmem_shared>>
      tpu.wait_dma2 semaphore(%run_scoped3A : memref<!tpu.dma_semaphore, #tpu.memory_space<semaphore_mem>>) src(%arg8 : memref<128x16xbf16, #tpu.memory_space<vmem>>) dst(%dma_wait3A_62 : memref<128x16xbf16, #tpu.memory_space<vmem_shared>>)
      tpu.yield
    }) : () -> ()
    %add3A_18 = arith.constant 128 : i32
    %add3A_19 = arith.addi %mul3A_0, %add3A_18 : i32
    "tpu.region"() ({
      %run_scoped3A = tpu.sem_alloc : memref<!tpu.dma_semaphore, #tpu.memory_space<semaphore_mem>>
      %dma_start3A_56 = arith.constant 0 : i32
      %dma_start3A_57 = tpu.memref_slice %arg10[%add3A_19, %dma_start3A_56] : memref<10240x16xbf16, #tpu.memory_space<vmem_shared>> -> memref<128x16xbf16, #tpu.memory_space<vmem_shared>>
      %dma_start3A_58 = arith.constant 0 : i32
      %dma_start3A_59 = tpu.memref_slice %arg10[%add3A_19, %dma_start3A_58] : memref<10240x16xbf16, #tpu.memory_space<vmem_shared>> -> memref<128x16xbf16, #tpu.memory_space<vmem_shared>>
      tpu.enqueue_dma source(%arg8 : memref<128x16xbf16, #tpu.memory_space<vmem>>) target(%dma_start3A_59 : memref<128x16xbf16, #tpu.memory_space<vmem_shared>>) target_semaphore(%run_scoped3A : memref<!tpu.dma_semaphore, #tpu.memory_space<semaphore_mem>>)
      %dma_wait3A = arith.constant 0 : i32
      %dma_wait3A_60 = tpu.memref_slice %arg10[%add3A_19, %dma_wait3A] : memref<10240x16xbf16, #tpu.memory_space<vmem_shared>> -> memref<128x16xbf16, #tpu.memory_space<vmem_shared>>
      %dma_wait3A_61 = arith.constant 0 : i32
      %dma_wait3A_62 = tpu.memref_slice %arg10[%add3A_19, %dma_wait3A_61] : memref<10240x16xbf16, #tpu.memory_space<vmem_shared>> -> memref<128x16xbf16, #tpu.memory_space<vmem_shared>>
      tpu.wait_dma2 semaphore(%run_scoped3A : memref<!tpu.dma_semaphore, #tpu.memory_space<semaphore_mem>>) src(%arg8 : memref<128x16xbf16, #tpu.memory_space<vmem>>) dst(%dma_wait3A_62 : memref<128x16xbf16, #tpu.memory_space<vmem_shared>>)
      tpu.yield
    }) : () -> ()
    %add3A_20 = arith.constant 256 : i32
    %add3A_21 = arith.addi %mul3A_0, %add3A_20 : i32
    "tpu.region"() ({
      %run_scoped3A = tpu.sem_alloc : memref<!tpu.dma_semaphore, #tpu.memory_space<semaphore_mem>>
      %dma_start3A_56 = arith.constant 0 : i32
      %dma_start3A_57 = tpu.memref_slice %arg10[%add3A_21, %dma_start3A_56] : memref<10240x16xbf16, #tpu.memory_space<vmem_shared>> -> memref<128x16xbf16, #tpu.memory_space<vmem_shared>>
      %dma_start3A_58 = arith.constant 0 : i32
      %dma_start3A_59 = tpu.memref_slice %arg10[%add3A_21, %dma_start3A_58] : memref<10240x16xbf16, #tpu.memory_space<vmem_shared>> -> memref<128x16xbf16, #tpu.memory_space<vmem_shared>>
      tpu.enqueue_dma source(%arg8 : memref<128x16xbf16, #tpu.memory_space<vmem>>) target(%dma_start3A_59 : memref<128x16xbf16, #tpu.memory_space<vmem_shared>>) target_semaphore(%run_scoped3A : memref<!tpu.dma_semaphore, #tpu.memory_space<semaphore_mem>>)
      %dma_wait3A = arith.constant 0 : i32
      %dma_wait3A_60 = tpu.memref_slice %arg10[%add3A_21, %dma_wait3A] : memref<10240x16xbf16, #tpu.memory_space<vmem_shared>> -> memref<128x16xbf16, #tpu.memory_space<vmem_shared>>
      %dma_wait3A_61 = arith.constant 0 : i32
      %dma_wait3A_62 = tpu.memref_slice %arg10[%add3A_21, %dma_wait3A_61] : memref<10240x16xbf16, #tpu.memory_space<vmem_shared>> -> memref<128x16xbf16, #tpu.memory_space<vmem_shared>>
      tpu.wait_dma2 semaphore(%run_scoped3A : memref<!tpu.dma_semaphore, #tpu.memory_space<semaphore_mem>>) src(%arg8 : memref<128x16xbf16, #tpu.memory_space<vmem>>) dst(%dma_wait3A_62 : memref<128x16xbf16, #tpu.memory_space<vmem_shared>>)
      tpu.yield
    }) : () -> ()
    %add3A_22 = arith.constant 384 : i32
    %add3A_23 = arith.addi %mul3A_0, %add3A_22 : i32
    "tpu.region"() ({
      %run_scoped3A = tpu.sem_alloc : memref<!tpu.dma_semaphore, #tpu.memory_space<semaphore_mem>>
      %dma_start3A_56 = arith.constant 0 : i32
      %dma_start3A_57 = tpu.memref_slice %arg10[%add3A_23, %dma_start3A_56] : memref<10240x16xbf16, #tpu.memory_space<vmem_shared>> -> memref<128x16xbf16, #tpu.memory_space<vmem_shared>>
      %dma_start3A_58 = arith.constant 0 : i32
      %dma_start3A_59 = tpu.memref_slice %arg10[%add3A_23, %dma_start3A_58] : memref<10240x16xbf16, #tpu.memory_space<vmem_shared>> -> memref<128x16xbf16, #tpu.memory_space<vmem_shared>>
      tpu.enqueue_dma source(%arg8 : memref<128x16xbf16, #tpu.memory_space<vmem>>) target(%dma_start3A_59 : memref<128x16xbf16, #tpu.memory_space<vmem_shared>>) target_semaphore(%run_scoped3A : memref<!tpu.dma_semaphore, #tpu.memory_space<semaphore_mem>>)
      %dma_wait3A = arith.constant 0 : i32
      %dma_wait3A_60 = tpu.memref_slice %arg10[%add3A_23, %dma_wait3A] : memref<10240x16xbf16, #tpu.memory_space<vmem_shared>> -> memref<128x16xbf16, #tpu.memory_space<vmem_shared>>
      %dma_wait3A_61 = arith.constant 0 : i32
      %dma_wait3A_62 = tpu.memref_slice %arg10[%add3A_23, %dma_wait3A_61] : memref<10240x16xbf16, #tpu.memory_space<vmem_shared>> -> memref<128x16xbf16, #tpu.memory_space<vmem_shared>>
      tpu.wait_dma2 semaphore(%run_scoped3A : memref<!tpu.dma_semaphore, #tpu.memory_space<semaphore_mem>>) src(%arg8 : memref<128x16xbf16, #tpu.memory_space<vmem>>) dst(%dma_wait3A_62 : memref<128x16xbf16, #tpu.memory_space<vmem_shared>>)
      tpu.yield
    }) : () -> ()
    %add3A_24 = arith.constant 512 : i32
    %add3A_25 = arith.addi %mul3A_0, %add3A_24 : i32
    "tpu.region"() ({
      %run_scoped3A = tpu.sem_alloc : memref<!tpu.dma_semaphore, #tpu.memory_space<semaphore_mem>>
      %dma_start3A_56 = arith.constant 0 : i32
      %dma_start3A_57 = tpu.memref_slice %arg10[%add3A_25, %dma_start3A_56] : memref<10240x16xbf16, #tpu.memory_space<vmem_shared>> -> memref<128x16xbf16, #tpu.memory_space<vmem_shared>>
      %dma_start3A_58 = arith.constant 0 : i32
      %dma_start3A_59 = tpu.memref_slice %arg10[%add3A_25, %dma_start3A_58] : memref<10240x16xbf16, #tpu.memory_space<vmem_shared>> -> memref<128x16xbf16, #tpu.memory_space<vmem_shared>>
      tpu.enqueue_dma source(%arg8 : memref<128x16xbf16, #tpu.memory_space<vmem>>) target(%dma_start3A_59 : memref<128x16xbf16, #tpu.memory_space<vmem_shared>>) target_semaphore(%run_scoped3A : memref<!tpu.dma_semaphore, #tpu.memory_space<semaphore_mem>>)
      %dma_wait3A = arith.constant 0 : i32
      %dma_wait3A_60 = tpu.memref_slice %arg10[%add3A_25, %dma_wait3A] : memref<10240x16xbf16, #tpu.memory_space<vmem_shared>> -> memref<128x16xbf16, #tpu.memory_space<vmem_shared>>
      %dma_wait3A_61 = arith.constant 0 : i32
      %dma_wait3A_62 = tpu.memref_slice %arg10[%add3A_25, %dma_wait3A_61] : memref<10240x16xbf16, #tpu.memory_space<vmem_shared>> -> memref<128x16xbf16, #tpu.memory_space<vmem_shared>>
      tpu.wait_dma2 semaphore(%run_scoped3A : memref<!tpu.dma_semaphore, #tpu.memory_space<semaphore_mem>>) src(%arg8 : memref<128x16xbf16, #tpu.memory_space<vmem>>) dst(%dma_wait3A_62 : memref<128x16xbf16, #tpu.memory_space<vmem_shared>>)
      tpu.yield
    }) : () -> ()
    %barrier3A = arith.constant 0 : index
    tpu.barrier barrier_id(%barrier3A)
    %dma_start3A = arith.constant 0 : i32
    %dma_start3A_26 = arith.constant 0 : i32
    %dma_start3A_27 = tpu.memref_slice %arg6[%dma_start3A, %dma_start3A_26] : memref<84x128xi32, #tpu.memory_space<vmem>> -> memref<1x128xi32, #tpu.memory_space<vmem>>
    %dma_start3A_28 = tpu.memref_squeeze %dma_start3A_27 : memref<1x128xi32, #tpu.memory_space<vmem>> -> memref<128xi32, #tpu.memory_space<vmem>>
    %dma_start3A_29 = arith.constant 0 : i32
    %dma_start3A_30 = arith.constant 0 : i32
    %dma_start3A_31 = tpu.memref_slice %arg2[%dma_start3A_29, %dma_start3A_30] : memref<10240x16xbf16, #tpu.memory_space<hbm>> -> memref<10240x16xbf16, #tpu.memory_space<hbm>>
    tpu.enqueue_indirect_dma source(%dma_start3A_31 : memref<10240x16xbf16, #tpu.memory_space<hbm>>) target(%arg8 : memref<128x16xbf16, #tpu.memory_space<vmem>>) offsets(%dma_start3A_28 : memref<128xi32, #tpu.memory_space<vmem>>) semaphore(%arg11 : memref<!tpu.dma_semaphore, #tpu.memory_space<semaphore_mem>>)
    %dma_start3A_32 = arith.constant 1 : i32
    %dma_start3A_33 = arith.constant 0 : i32
    %dma_start3A_34 = tpu.memref_slice %arg6[%dma_start3A_32, %dma_start3A_33] : memref<84x128xi32, #tpu.memory_space<vmem>> -> memref<1x128xi32, #tpu.memory_space<vmem>>
    %dma_start3A_35 = tpu.memref_squeeze %dma_start3A_34 : memref<1x128xi32, #tpu.memory_space<vmem>> -> memref<128xi32, #tpu.memory_space<vmem>>
    %dma_start3A_36 = arith.constant 0 : i32
    %dma_start3A_37 = arith.constant 0 : i32
    %dma_start3A_38 = tpu.memref_slice %arg2[%dma_start3A_36, %dma_start3A_37] : memref<10240x16xbf16, #tpu.memory_space<hbm>> -> memref<10240x16xbf16, #tpu.memory_space<hbm>>
    tpu.enqueue_indirect_dma source(%dma_start3A_38 : memref<10240x16xbf16, #tpu.memory_space<hbm>>) target(%arg9 : memref<128x16xbf16, #tpu.memory_space<vmem>>) offsets(%dma_start3A_35 : memref<128xi32, #tpu.memory_space<vmem>>) semaphore(%arg12 : memref<!tpu.dma_semaphore, #tpu.memory_space<semaphore_mem>>)
    %sub3A = arith.constant 0 : i32
    %sub3A_39 = arith.subi %select_n3A_3, %sub3A : i32
    %sub3A_40 = arith.constant 2 : i32
    %sub3A_41 = arith.constant 1 : i32
    %sub3A_42 = arith.subi %sub3A_40, %sub3A_41 : i32
    %add3A_43 = arith.addi %sub3A_39, %sub3A_42 : i32
    %div3A = arith.constant 2 : i32
    %div3A_44 = arith.divsi %add3A_43, %div3A : i32
    %while3A = arith.constant 2 : i32
    %while3A_45 = arith.constant 0 : i32
    %while3A_46 = arith.constant 0 : i32
    %while3A_47 = arith.subi %div3A_44, %while3A_46 : i32
    %while3A_48 = arith.addi %while3A_46, %while3A_47 : i32
    %while3A_49 = arith.constant 1 : i32
    %while3A_50 = arith.divsi %while3A_47, %while3A_49 : i32
    %while3A_51 = arith.muli %while3A_50, %while3A_49 : i32
    %while3A_52 = arith.addi %while3A_46, %while3A_51 : i32
    %while3A_53 = arith.constant 1 : i32
    scf.for %while3A_56 = %while3A_46 to %while3A_52 step %while3A_53  : i32 {
      %mul3A_57 = arith.muli %while3A_56, %while3A : i32
      %add3A_58 = arith.addi %while3A_45, %mul3A_57 : i32
      %add3A_59 = arith.constant 0 : i32
      %add3A_60 = arith.addi %add3A_58, %add3A_59 : i32
      %dma_wait3A = arith.constant 0 : i32
      %dma_wait3A_61 = tpu.memref_slice %arg6[%add3A_60, %dma_wait3A] : memref<84x128xi32, #tpu.memory_space<vmem>> -> memref<1x128xi32, #tpu.memory_space<vmem>>
      %dma_wait3A_62 = tpu.memref_squeeze %dma_wait3A_61 : memref<1x128xi32, #tpu.memory_space<vmem>> -> memref<128xi32, #tpu.memory_space<vmem>>
      %dma_wait3A_63 = arith.constant 0 : i32
      %dma_wait3A_64 = arith.constant 0 : i32
      %dma_wait3A_65 = tpu.memref_slice %arg2[%dma_wait3A_63, %dma_wait3A_64] : memref<10240x16xbf16, #tpu.memory_space<hbm>> -> memref<10240x16xbf16, #tpu.memory_space<hbm>>
      tpu.wait_indirect_dma semaphore(%arg11 : memref<!tpu.dma_semaphore, #tpu.memory_space<semaphore_mem>>) src(%dma_wait3A_65 : memref<10240x16xbf16, #tpu.memory_space<hbm>>) dst(%arg8 : memref<128x16xbf16, #tpu.memory_space<vmem>>)
      "tpu.region"() ({
        %run_scoped3A = tpu.sem_alloc : memref<!tpu.dma_semaphore, #tpu.memory_space<semaphore_mem>>
        %dma_start3A_87 = arith.constant 0 : i32
        %dma_start3A_88 = tpu.memref_slice %arg7[%add3A_60, %dma_start3A_87] : memref<84x128xi32, #tpu.memory_space<vmem>> -> memref<1x128xi32, #tpu.memory_space<vmem>>
        %dma_start3A_89 = tpu.memref_squeeze %dma_start3A_88 : memref<1x128xi32, #tpu.memory_space<vmem>> -> memref<128xi32, #tpu.memory_space<vmem>>
        %dma_start3A_90 = arith.constant 0 : i32
        %dma_start3A_91 = arith.constant 0 : i32
        %dma_start3A_92 = tpu.memref_slice %arg10[%dma_start3A_90, %dma_start3A_91] : memref<10240x16xbf16, #tpu.memory_space<vmem_shared>> -> memref<10240x16xbf16, #tpu.memory_space<vmem_shared>>
        tpu.enqueue_indirect_dma source(%arg8 : memref<128x16xbf16, #tpu.memory_space<vmem>>) target(%dma_start3A_92 : memref<10240x16xbf16, #tpu.memory_space<vmem_shared>>) offsets(%dma_start3A_89 : memref<128xi32, #tpu.memory_space<vmem>>) semaphore(%run_scoped3A : memref<!tpu.dma_semaphore, #tpu.memory_space<semaphore_mem>>) {add = true}
        %dma_wait3A_93 = arith.constant 0 : i32
        %dma_wait3A_94 = tpu.memref_slice %arg7[%add3A_60, %dma_wait3A_93] : memref<84x128xi32, #tpu.memory_space<vmem>> -> memref<1x128xi32, #tpu.memory_space<vmem>>
        %dma_wait3A_95 = tpu.memref_squeeze %dma_wait3A_94 : memref<1x128xi32, #tpu.memory_space<vmem>> -> memref<128xi32, #tpu.memory_space<vmem>>
        %dma_wait3A_96 = arith.constant 0 : i32
        %dma_wait3A_97 = arith.constant 0 : i32
        %dma_wait3A_98 = tpu.memref_slice %arg10[%dma_wait3A_96, %dma_wait3A_97] : memref<10240x16xbf16, #tpu.memory_space<vmem_shared>> -> memref<10240x16xbf16, #tpu.memory_space<vmem_shared>>
        tpu.wait_indirect_dma semaphore(%run_scoped3A : memref<!tpu.dma_semaphore, #tpu.memory_space<semaphore_mem>>) src(%arg8 : memref<128x16xbf16, #tpu.memory_space<vmem>>) dst(%dma_wait3A_98 : memref<10240x16xbf16, #tpu.memory_space<vmem_shared>>)
        tpu.yield
      }) : () -> ()
      %add3A_66 = arith.constant 0 : i32
      %add3A_67 = arith.addi %add3A_58, %add3A_66 : i32
      %add3A_68 = arith.constant 2 : i32
      %add3A_69 = arith.addi %add3A_67, %add3A_68 : i32
      %lt3A = arith.cmpi slt, %add3A_69, %select_n3A_3 : i32
      %convert_element_type3A = arith.extui %lt3A : i1 to i32
      %cond3A = arith.constant 0 : i32
      %cond3A_70 = arith.cmpi ne, %convert_element_type3A, %cond3A : i32
      scf.if %cond3A_70 {
        %add3A_87 = arith.constant 0 : i32
        %add3A_88 = arith.addi %add3A_58, %add3A_87 : i32
        %add3A_89 = arith.constant 2 : i32
        %add3A_90 = arith.addi %add3A_88, %add3A_89 : i32
        %dma_start3A_91 = arith.constant 0 : i32
        %dma_start3A_92 = tpu.memref_slice %arg6[%add3A_90, %dma_start3A_91] : memref<84x128xi32, #tpu.memory_space<vmem>> -> memref<1x128xi32, #tpu.memory_space<vmem>>
        %dma_start3A_93 = tpu.memref_squeeze %dma_start3A_92 : memref<1x128xi32, #tpu.memory_space<vmem>> -> memref<128xi32, #tpu.memory_space<vmem>>
        %dma_start3A_94 = arith.constant 0 : i32
        %dma_start3A_95 = arith.constant 0 : i32
        %dma_start3A_96 = tpu.memref_slice %arg2[%dma_start3A_94, %dma_start3A_95] : memref<10240x16xbf16, #tpu.memory_space<hbm>> -> memref<10240x16xbf16, #tpu.memory_space<hbm>>
        tpu.enqueue_indirect_dma source(%dma_start3A_96 : memref<10240x16xbf16, #tpu.memory_space<hbm>>) target(%arg8 : memref<128x16xbf16, #tpu.memory_space<vmem>>) offsets(%dma_start3A_93 : memref<128xi32, #tpu.memory_space<vmem>>) semaphore(%arg11 : memref<!tpu.dma_semaphore, #tpu.memory_space<semaphore_mem>>)
      } else {
      }
      %add3A_71 = arith.constant 1 : i32
      %add3A_72 = arith.addi %add3A_58, %add3A_71 : i32
      %dma_wait3A_73 = arith.constant 0 : i32
      %dma_wait3A_74 = tpu.memref_slice %arg6[%add3A_72, %dma_wait3A_73] : memref<84x128xi32, #tpu.memory_space<vmem>> -> memref<1x128xi32, #tpu.memory_space<vmem>>
      %dma_wait3A_75 = tpu.memref_squeeze %dma_wait3A_74 : memref<1x128xi32, #tpu.memory_space<vmem>> -> memref<128xi32, #tpu.memory_space<vmem>>
      %dma_wait3A_76 = arith.constant 0 : i32
      %dma_wait3A_77 = arith.constant 0 : i32
      %dma_wait3A_78 = tpu.memref_slice %arg2[%dma_wait3A_76, %dma_wait3A_77] : memref<10240x16xbf16, #tpu.memory_space<hbm>> -> memref<10240x16xbf16, #tpu.memory_space<hbm>>
      tpu.wait_indirect_dma semaphore(%arg12 : memref<!tpu.dma_semaphore, #tpu.memory_space<semaphore_mem>>) src(%dma_wait3A_78 : memref<10240x16xbf16, #tpu.memory_space<hbm>>) dst(%arg9 : memref<128x16xbf16, #tpu.memory_space<vmem>>)
      "tpu.region"() ({
        %run_scoped3A = tpu.sem_alloc : memref<!tpu.dma_semaphore, #tpu.memory_space<semaphore_mem>>
        %dma_start3A_87 = arith.constant 0 : i32
        %dma_start3A_88 = tpu.memref_slice %arg7[%add3A_72, %dma_start3A_87] : memref<84x128xi32, #tpu.memory_space<vmem>> -> memref<1x128xi32, #tpu.memory_space<vmem>>
        %dma_start3A_89 = tpu.memref_squeeze %dma_start3A_88 : memref<1x128xi32, #tpu.memory_space<vmem>> -> memref<128xi32, #tpu.memory_space<vmem>>
        %dma_start3A_90 = arith.constant 0 : i32
        %dma_start3A_91 = arith.constant 0 : i32
        %dma_start3A_92 = tpu.memref_slice %arg10[%dma_start3A_90, %dma_start3A_91] : memref<10240x16xbf16, #tpu.memory_space<vmem_shared>> -> memref<10240x16xbf16, #tpu.memory_space<vmem_shared>>
        tpu.enqueue_indirect_dma source(%arg9 : memref<128x16xbf16, #tpu.memory_space<vmem>>) target(%dma_start3A_92 : memref<10240x16xbf16, #tpu.memory_space<vmem_shared>>) offsets(%dma_start3A_89 : memref<128xi32, #tpu.memory_space<vmem>>) semaphore(%run_scoped3A : memref<!tpu.dma_semaphore, #tpu.memory_space<semaphore_mem>>) {add = true}
        %dma_wait3A_93 = arith.constant 0 : i32
        %dma_wait3A_94 = tpu.memref_slice %arg7[%add3A_72, %dma_wait3A_93] : memref<84x128xi32, #tpu.memory_space<vmem>> -> memref<1x128xi32, #tpu.memory_space<vmem>>
        %dma_wait3A_95 = tpu.memref_squeeze %dma_wait3A_94 : memref<1x128xi32, #tpu.memory_space<vmem>> -> memref<128xi32, #tpu.memory_space<vmem>>
        %dma_wait3A_96 = arith.constant 0 : i32
        %dma_wait3A_97 = arith.constant 0 : i32
        %dma_wait3A_98 = tpu.memref_slice %arg10[%dma_wait3A_96, %dma_wait3A_97] : memref<10240x16xbf16, #tpu.memory_space<vmem_shared>> -> memref<10240x16xbf16, #tpu.memory_space<vmem_shared>>
        tpu.wait_indirect_dma semaphore(%run_scoped3A : memref<!tpu.dma_semaphore, #tpu.memory_space<semaphore_mem>>) src(%arg9 : memref<128x16xbf16, #tpu.memory_space<vmem>>) dst(%dma_wait3A_98 : memref<10240x16xbf16, #tpu.memory_space<vmem_shared>>)
        tpu.yield
      }) : () -> ()
      %add3A_79 = arith.constant 1 : i32
      %add3A_80 = arith.addi %add3A_58, %add3A_79 : i32
      %add3A_81 = arith.constant 2 : i32
      %add3A_82 = arith.addi %add3A_80, %add3A_81 : i32
      %lt3A_83 = arith.cmpi slt, %add3A_82, %select_n3A_3 : i32
      %convert_element_type3A_84 = arith.extui %lt3A_83 : i1 to i32
      %cond3A_85 = arith.constant 0 : i32
      %cond3A_86 = arith.cmpi ne, %convert_element_type3A_84, %cond3A_85 : i32
      scf.if %cond3A_86 {
        %add3A_87 = arith.constant 1 : i32
        %add3A_88 = arith.addi %add3A_58, %add3A_87 : i32
        %add3A_89 = arith.constant 2 : i32
        %add3A_90 = arith.addi %add3A_88, %add3A_89 : i32
        %dma_start3A_91 = arith.constant 0 : i32
        %dma_start3A_92 = tpu.memref_slice %arg6[%add3A_90, %dma_start3A_91] : memref<84x128xi32, #tpu.memory_space<vmem>> -> memref<1x128xi32, #tpu.memory_space<vmem>>
        %dma_start3A_93 = tpu.memref_squeeze %dma_start3A_92 : memref<1x128xi32, #tpu.memory_space<vmem>> -> memref<128xi32, #tpu.memory_space<vmem>>
        %dma_start3A_94 = arith.constant 0 : i32
        %dma_start3A_95 = arith.constant 0 : i32
        %dma_start3A_96 = tpu.memref_slice %arg2[%dma_start3A_94, %dma_start3A_95] : memref<10240x16xbf16, #tpu.memory_space<hbm>> -> memref<10240x16xbf16, #tpu.memory_space<hbm>>
        tpu.enqueue_indirect_dma source(%dma_start3A_96 : memref<10240x16xbf16, #tpu.memory_space<hbm>>) target(%arg9 : memref<128x16xbf16, #tpu.memory_space<vmem>>) offsets(%dma_start3A_93 : memref<128xi32, #tpu.memory_space<vmem>>) semaphore(%arg12 : memref<!tpu.dma_semaphore, #tpu.memory_space<semaphore_mem>>)
      } else {
      }
    }
    %while3A_54 = arith.constant 1 : i32
    scf.for %while3A_56 = %while3A_52 to %while3A_48 step %while3A_54  : i32 {
      %mul3A_57 = arith.muli %while3A_56, %while3A : i32
      %add3A_58 = arith.addi %while3A_45, %mul3A_57 : i32
      %add3A_59 = arith.constant 0 : i32
      %add3A_60 = arith.addi %add3A_58, %add3A_59 : i32
      %dma_wait3A = arith.constant 0 : i32
      %dma_wait3A_61 = tpu.memref_slice %arg6[%add3A_60, %dma_wait3A] : memref<84x128xi32, #tpu.memory_space<vmem>> -> memref<1x128xi32, #tpu.memory_space<vmem>>
      %dma_wait3A_62 = tpu.memref_squeeze %dma_wait3A_61 : memref<1x128xi32, #tpu.memory_space<vmem>> -> memref<128xi32, #tpu.memory_space<vmem>>
      %dma_wait3A_63 = arith.constant 0 : i32
      %dma_wait3A_64 = arith.constant 0 : i32
      %dma_wait3A_65 = tpu.memref_slice %arg2[%dma_wait3A_63, %dma_wait3A_64] : memref<10240x16xbf16, #tpu.memory_space<hbm>> -> memref<10240x16xbf16, #tpu.memory_space<hbm>>
      tpu.wait_indirect_dma semaphore(%arg11 : memref<!tpu.dma_semaphore, #tpu.memory_space<semaphore_mem>>) src(%dma_wait3A_65 : memref<10240x16xbf16, #tpu.memory_space<hbm>>) dst(%arg8 : memref<128x16xbf16, #tpu.memory_space<vmem>>)
      "tpu.region"() ({
        %run_scoped3A = tpu.sem_alloc : memref<!tpu.dma_semaphore, #tpu.memory_space<semaphore_mem>>
        %dma_start3A_87 = arith.constant 0 : i32
        %dma_start3A_88 = tpu.memref_slice %arg7[%add3A_60, %dma_start3A_87] : memref<84x128xi32, #tpu.memory_space<vmem>> -> memref<1x128xi32, #tpu.memory_space<vmem>>
        %dma_start3A_89 = tpu.memref_squeeze %dma_start3A_88 : memref<1x128xi32, #tpu.memory_space<vmem>> -> memref<128xi32, #tpu.memory_space<vmem>>
        %dma_start3A_90 = arith.constant 0 : i32
        %dma_start3A_91 = arith.constant 0 : i32
        %dma_start3A_92 = tpu.memref_slice %arg10[%dma_start3A_90, %dma_start3A_91] : memref<10240x16xbf16, #tpu.memory_space<vmem_shared>> -> memref<10240x16xbf16, #tpu.memory_space<vmem_shared>>
        tpu.enqueue_indirect_dma source(%arg8 : memref<128x16xbf16, #tpu.memory_space<vmem>>) target(%dma_start3A_92 : memref<10240x16xbf16, #tpu.memory_space<vmem_shared>>) offsets(%dma_start3A_89 : memref<128xi32, #tpu.memory_space<vmem>>) semaphore(%run_scoped3A : memref<!tpu.dma_semaphore, #tpu.memory_space<semaphore_mem>>) {add = true}
        %dma_wait3A_93 = arith.constant 0 : i32
        %dma_wait3A_94 = tpu.memref_slice %arg7[%add3A_60, %dma_wait3A_93] : memref<84x128xi32, #tpu.memory_space<vmem>> -> memref<1x128xi32, #tpu.memory_space<vmem>>
        %dma_wait3A_95 = tpu.memref_squeeze %dma_wait3A_94 : memref<1x128xi32, #tpu.memory_space<vmem>> -> memref<128xi32, #tpu.memory_space<vmem>>
        %dma_wait3A_96 = arith.constant 0 : i32
        %dma_wait3A_97 = arith.constant 0 : i32
        %dma_wait3A_98 = tpu.memref_slice %arg10[%dma_wait3A_96, %dma_wait3A_97] : memref<10240x16xbf16, #tpu.memory_space<vmem_shared>> -> memref<10240x16xbf16, #tpu.memory_space<vmem_shared>>
        tpu.wait_indirect_dma semaphore(%run_scoped3A : memref<!tpu.dma_semaphore, #tpu.memory_space<semaphore_mem>>) src(%arg8 : memref<128x16xbf16, #tpu.memory_space<vmem>>) dst(%dma_wait3A_98 : memref<10240x16xbf16, #tpu.memory_space<vmem_shared>>)
        tpu.yield
      }) : () -> ()
      %add3A_66 = arith.constant 0 : i32
      %add3A_67 = arith.addi %add3A_58, %add3A_66 : i32
      %add3A_68 = arith.constant 2 : i32
      %add3A_69 = arith.addi %add3A_67, %add3A_68 : i32
      %lt3A = arith.cmpi slt, %add3A_69, %select_n3A_3 : i32
      %convert_element_type3A = arith.extui %lt3A : i1 to i32
      %cond3A = arith.constant 0 : i32
      %cond3A_70 = arith.cmpi ne, %convert_element_type3A, %cond3A : i32
      scf.if %cond3A_70 {
        %add3A_87 = arith.constant 0 : i32
        %add3A_88 = arith.addi %add3A_58, %add3A_87 : i32
        %add3A_89 = arith.constant 2 : i32
        %add3A_90 = arith.addi %add3A_88, %add3A_89 : i32
        %dma_start3A_91 = arith.constant 0 : i32
        %dma_start3A_92 = tpu.memref_slice %arg6[%add3A_90, %dma_start3A_91] : memref<84x128xi32, #tpu.memory_space<vmem>> -> memref<1x128xi32, #tpu.memory_space<vmem>>
        %dma_start3A_93 = tpu.memref_squeeze %dma_start3A_92 : memref<1x128xi32, #tpu.memory_space<vmem>> -> memref<128xi32, #tpu.memory_space<vmem>>
        %dma_start3A_94 = arith.constant 0 : i32
        %dma_start3A_95 = arith.constant 0 : i32
        %dma_start3A_96 = tpu.memref_slice %arg2[%dma_start3A_94, %dma_start3A_95] : memref<10240x16xbf16, #tpu.memory_space<hbm>> -> memref<10240x16xbf16, #tpu.memory_space<hbm>>
        tpu.enqueue_indirect_dma source(%dma_start3A_96 : memref<10240x16xbf16, #tpu.memory_space<hbm>>) target(%arg8 : memref<128x16xbf16, #tpu.memory_space<vmem>>) offsets(%dma_start3A_93 : memref<128xi32, #tpu.memory_space<vmem>>) semaphore(%arg11 : memref<!tpu.dma_semaphore, #tpu.memory_space<semaphore_mem>>)
      } else {
      }
      %add3A_71 = arith.constant 1 : i32
      %add3A_72 = arith.addi %add3A_58, %add3A_71 : i32
      %dma_wait3A_73 = arith.constant 0 : i32
      %dma_wait3A_74 = tpu.memref_slice %arg6[%add3A_72, %dma_wait3A_73] : memref<84x128xi32, #tpu.memory_space<vmem>> -> memref<1x128xi32, #tpu.memory_space<vmem>>
      %dma_wait3A_75 = tpu.memref_squeeze %dma_wait3A_74 : memref<1x128xi32, #tpu.memory_space<vmem>> -> memref<128xi32, #tpu.memory_space<vmem>>
      %dma_wait3A_76 = arith.constant 0 : i32
      %dma_wait3A_77 = arith.constant 0 : i32
      %dma_wait3A_78 = tpu.memref_slice %arg2[%dma_wait3A_76, %dma_wait3A_77] : memref<10240x16xbf16, #tpu.memory_space<hbm>> -> memref<10240x16xbf16, #tpu.memory_space<hbm>>
      tpu.wait_indirect_dma semaphore(%arg12 : memref<!tpu.dma_semaphore, #tpu.memory_space<semaphore_mem>>) src(%dma_wait3A_78 : memref<10240x16xbf16, #tpu.memory_space<hbm>>) dst(%arg9 : memref<128x16xbf16, #tpu.memory_space<vmem>>)
      "tpu.region"() ({
        %run_scoped3A = tpu.sem_alloc : memref<!tpu.dma_semaphore, #tpu.memory_space<semaphore_mem>>
        %dma_start3A_87 = arith.constant 0 : i32
        %dma_start3A_88 = tpu.memref_slice %arg7[%add3A_72, %dma_start3A_87] : memref<84x128xi32, #tpu.memory_space<vmem>> -> memref<1x128xi32, #tpu.memory_space<vmem>>
        %dma_start3A_89 = tpu.memref_squeeze %dma_start3A_88 : memref<1x128xi32, #tpu.memory_space<vmem>> -> memref<128xi32, #tpu.memory_space<vmem>>
        %dma_start3A_90 = arith.constant 0 : i32
        %dma_start3A_91 = arith.constant 0 : i32
        %dma_start3A_92 = tpu.memref_slice %arg10[%dma_start3A_90, %dma_start3A_91] : memref<10240x16xbf16, #tpu.memory_space<vmem_shared>> -> memref<10240x16xbf16, #tpu.memory_space<vmem_shared>>
        tpu.enqueue_indirect_dma source(%arg9 : memref<128x16xbf16, #tpu.memory_space<vmem>>) target(%dma_start3A_92 : memref<10240x16xbf16, #tpu.memory_space<vmem_shared>>) offsets(%dma_start3A_89 : memref<128xi32, #tpu.memory_space<vmem>>) semaphore(%run_scoped3A : memref<!tpu.dma_semaphore, #tpu.memory_space<semaphore_mem>>) {add = true}
        %dma_wait3A_93 = arith.constant 0 : i32
        %dma_wait3A_94 = tpu.memref_slice %arg7[%add3A_72, %dma_wait3A_93] : memref<84x128xi32, #tpu.memory_space<vmem>> -> memref<1x128xi32, #tpu.memory_space<vmem>>
        %dma_wait3A_95 = tpu.memref_squeeze %dma_wait3A_94 : memref<1x128xi32, #tpu.memory_space<vmem>> -> memref<128xi32, #tpu.memory_space<vmem>>
        %dma_wait3A_96 = arith.constant 0 : i32
        %dma_wait3A_97 = arith.constant 0 : i32
        %dma_wait3A_98 = tpu.memref_slice %arg10[%dma_wait3A_96, %dma_wait3A_97] : memref<10240x16xbf16, #tpu.memory_space<vmem_shared>> -> memref<10240x16xbf16, #tpu.memory_space<vmem_shared>>
        tpu.wait_indirect_dma semaphore(%run_scoped3A : memref<!tpu.dma_semaphore, #tpu.memory_space<semaphore_mem>>) src(%arg9 : memref<128x16xbf16, #tpu.memory_space<vmem>>) dst(%dma_wait3A_98 : memref<10240x16xbf16, #tpu.memory_space<vmem_shared>>)
        tpu.yield
      }) : () -> ()
      %add3A_79 = arith.constant 1 : i32
      %add3A_80 = arith.addi %add3A_58, %add3A_79 : i32
      %add3A_81 = arith.constant 2 : i32
      %add3A_82 = arith.addi %add3A_80, %add3A_81 : i32
      %lt3A_83 = arith.cmpi slt, %add3A_82, %select_n3A_3 : i32
      %convert_element_type3A_84 = arith.extui %lt3A_83 : i1 to i32
      %cond3A_85 = arith.constant 0 : i32
      %cond3A_86 = arith.cmpi ne, %convert_element_type3A_84, %cond3A_85 : i32
      scf.if %cond3A_86 {
        %add3A_87 = arith.constant 1 : i32
        %add3A_88 = arith.addi %add3A_58, %add3A_87 : i32
        %add3A_89 = arith.constant 2 : i32
        %add3A_90 = arith.addi %add3A_88, %add3A_89 : i32
        %dma_start3A_91 = arith.constant 0 : i32
        %dma_start3A_92 = tpu.memref_slice %arg6[%add3A_90, %dma_start3A_91] : memref<84x128xi32, #tpu.memory_space<vmem>> -> memref<1x128xi32, #tpu.memory_space<vmem>>
        %dma_start3A_93 = tpu.memref_squeeze %dma_start3A_92 : memref<1x128xi32, #tpu.memory_space<vmem>> -> memref<128xi32, #tpu.memory_space<vmem>>
        %dma_start3A_94 = arith.constant 0 : i32
        %dma_start3A_95 = arith.constant 0 : i32
        %dma_start3A_96 = tpu.memref_slice %arg2[%dma_start3A_94, %dma_start3A_95] : memref<10240x16xbf16, #tpu.memory_space<hbm>> -> memref<10240x16xbf16, #tpu.memory_space<hbm>>
        tpu.enqueue_indirect_dma source(%dma_start3A_96 : memref<10240x16xbf16, #tpu.memory_space<hbm>>) target(%arg9 : memref<128x16xbf16, #tpu.memory_space<vmem>>) offsets(%dma_start3A_93 : memref<128xi32, #tpu.memory_space<vmem>>) semaphore(%arg12 : memref<!tpu.dma_semaphore, #tpu.memory_space<semaphore_mem>>)
      } else {
      }
    }
    %barrier3A_55 = arith.constant 0 : index
    tpu.barrier barrier_id(%barrier3A_55)
    "tpu.region"() ({
      %run_scoped3A = tpu.sem_alloc : memref<!tpu.dma_semaphore, #tpu.memory_space<semaphore_mem>>
      %dma_start3A_56 = arith.constant 0 : i32
      %dma_start3A_57 = tpu.memref_slice %arg5[%arg0, %mul3A_0, %dma_start3A_56] : memref<2x10240x16xbf16, #tpu.memory_space<hbm>> -> memref<1x640x16xbf16, #tpu.memory_space<hbm>>
      %dma_start3A_58 = tpu.memref_squeeze %dma_start3A_57 : memref<1x640x16xbf16, #tpu.memory_space<hbm>> -> memref<640x16xbf16, #tpu.memory_space<hbm>>
      %dma_start3A_59 = arith.constant 0 : i32
      %dma_start3A_60 = tpu.memref_slice %arg10[%mul3A_0, %dma_start3A_59] : memref<10240x16xbf16, #tpu.memory_space<vmem_shared>> -> memref<640x16xbf16, #tpu.memory_space<vmem_shared>>
      tpu.enqueue_dma source(%dma_start3A_60 : memref<640x16xbf16, #tpu.memory_space<vmem_shared>>) target(%dma_start3A_58 : memref<640x16xbf16, #tpu.memory_space<hbm>>) target_semaphore(%run_scoped3A : memref<!tpu.dma_semaphore, #tpu.memory_space<semaphore_mem>>)
      %dma_wait3A = arith.constant 0 : i32
      %dma_wait3A_61 = tpu.memref_slice %arg5[%arg0, %mul3A_0, %dma_wait3A] : memref<2x10240x16xbf16, #tpu.memory_space<hbm>> -> memref<1x640x16xbf16, #tpu.memory_space<hbm>>
      %dma_wait3A_62 = tpu.memref_squeeze %dma_wait3A_61 : memref<1x640x16xbf16, #tpu.memory_space<hbm>> -> memref<640x16xbf16, #tpu.memory_space<hbm>>
      %dma_wait3A_63 = arith.constant 0 : i32
      %dma_wait3A_64 = tpu.memref_slice %arg10[%mul3A_0, %dma_wait3A_63] : memref<10240x16xbf16, #tpu.memory_space<vmem_shared>> -> memref<640x16xbf16, #tpu.memory_space<vmem_shared>>
      tpu.wait_dma2 semaphore(%run_scoped3A : memref<!tpu.dma_semaphore, #tpu.memory_space<semaphore_mem>>) src(%dma_wait3A_64 : memref<640x16xbf16, #tpu.memory_space<vmem_shared>>) dst(%dma_wait3A_62 : memref<640x16xbf16, #tpu.memory_space<hbm>>)
      tpu.yield
    }) : () -> ()
    return
  }
}

#map = affine_map<(d0, d1) -> (0, 0)>
#map1 = affine_map<(d0, d1) -> (0, 0, 0)>
module attributes {stable_mosaic.version = 14 : i64} {
  func.func @deg_kernel(%arg0: i32, %arg1: i32, %arg2: memref<2604x128xi32, #tpu.memory_space<hbm>>, %arg3: memref<2x10240x16xf32, #tpu.memory_space<hbm>>, %arg4: memref<80x128xi32, #tpu.memory_space<vmem>>, %arg5: memref<128x16xf32, #tpu.memory_space<vmem>>, %arg6: memref<10240x16xf32, #tpu.memory_space<vmem_shared>>) attributes {dimension_semantics = [#tpu.dimension_semantics<core_parallel>, #tpu.dimension_semantics<subcore_parallel>], iteration_bounds = array<i64: 2, 16>, scalar_prefetch = 0 : i64, scratch_operands = 3 : i64, tpu.core_type = #tpu.core_type<sc_vector_subcore>, window_params = [{transform_indices = #map}, {transform_indices = #map1}]} {
    %mul3A = arith.constant 16 : i32
    %mul3A_0 = arith.muli %arg0, %mul3A : i32
    %add3A = arith.addi %mul3A_0, %arg1 : i32
    %mul3A_1 = arith.constant 640 : i32
    %mul3A_2 = arith.muli %arg1, %mul3A_1 : i32
    %mul3A_3 = arith.constant 80 : i32
    %mul3A_4 = arith.muli %add3A, %mul3A_3 : i32
    "tpu.region"() ({
      %run_scoped3A = tpu.sem_alloc : memref<!tpu.dma_semaphore, #tpu.memory_space<semaphore_mem>>
      %dma_start3A = arith.constant 0 : i32
      %dma_start3A_30 = tpu.memref_slice %arg2[%mul3A_4, %dma_start3A] : memref<2604x128xi32, #tpu.memory_space<hbm>> -> memref<80x128xi32, #tpu.memory_space<hbm>>
      %dma_start3A_31 = arith.constant 0 : i32
      %dma_start3A_32 = tpu.memref_slice %arg2[%mul3A_4, %dma_start3A_31] : memref<2604x128xi32, #tpu.memory_space<hbm>> -> memref<80x128xi32, #tpu.memory_space<hbm>>
      tpu.enqueue_dma source(%dma_start3A_32 : memref<80x128xi32, #tpu.memory_space<hbm>>) target(%arg4 : memref<80x128xi32, #tpu.memory_space<vmem>>) target_semaphore(%run_scoped3A : memref<!tpu.dma_semaphore, #tpu.memory_space<semaphore_mem>>)
      %dma_wait3A = arith.constant 0 : i32
      %dma_wait3A_33 = tpu.memref_slice %arg2[%mul3A_4, %dma_wait3A] : memref<2604x128xi32, #tpu.memory_space<hbm>> -> memref<80x128xi32, #tpu.memory_space<hbm>>
      %dma_wait3A_34 = arith.constant 0 : i32
      %dma_wait3A_35 = tpu.memref_slice %arg2[%mul3A_4, %dma_wait3A_34] : memref<2604x128xi32, #tpu.memory_space<hbm>> -> memref<80x128xi32, #tpu.memory_space<hbm>>
      tpu.wait_dma2 semaphore(%run_scoped3A : memref<!tpu.dma_semaphore, #tpu.memory_space<semaphore_mem>>) src(%dma_wait3A_35 : memref<80x128xi32, #tpu.memory_space<hbm>>) dst(%arg4 : memref<80x128xi32, #tpu.memory_space<vmem>>)
      tpu.yield
    }) : () -> ()
    %scan3A = arith.constant 0 : i32
    %scan3A_5 = arith.constant 128 : i32
    %scan3A_6 = arith.addi %scan3A, %scan3A_5 : i32
    %scan3A_7 = arith.constant 1 : i32
    scf.for %scan3A_30 = %scan3A to %scan3A_6 step %scan3A_7  : i32 {
      %mul3A_31 = arith.constant 1 : i32
      %mul3A_32 = arith.muli %scan3A_30, %mul3A_31 : i32
      %add3A_33 = arith.constant 0 : i32
      %add3A_34 = arith.addi %add3A_33, %mul3A_32 : i32
      %broadcast_in_dim3A = arith.constant 0.000000e+00 : f32
      %broadcast_in_dim3A_35 = vector.broadcast %broadcast_in_dim3A : f32 to vector<16xf32>
      %swap3A = arith.index_cast %add3A_34 : i32 to index
      %swap3A_36 = arith.constant 0 : index
      %swap3A_37 = tpu.vector_load %arg5[%swap3A, %swap3A_36] {strides = array<i32>} : memref<128x16xf32, #tpu.memory_space<vmem>>, vector<1x16xf32>,
      %swap3A_38 = vector.shape_cast %swap3A_37 : vector<1x16xf32> to vector<16xf32>
      %swap3A_39 = vector.shape_cast %broadcast_in_dim3A_35 : vector<16xf32> to vector<1x16xf32>
      tpu.vector_store %arg5[%swap3A, %swap3A_36], %swap3A_39 {strides = array<i32>} : memref<128x16xf32, #tpu.memory_space<vmem>>, vector<1x16xf32>,
    }
    %scan3A_8 = arith.constant 128 : i32
    %add3A_9 = arith.constant 0 : i32
    %add3A_10 = arith.addi %mul3A_2, %add3A_9 : i32
    "tpu.region"() ({
      %run_scoped3A = tpu.sem_alloc : memref<!tpu.dma_semaphore, #tpu.memory_space<semaphore_mem>>
      %dma_start3A = arith.constant 0 : i32
      %dma_start3A_30 = tpu.memref_slice %arg6[%add3A_10, %dma_start3A] : memref<10240x16xf32, #tpu.memory_space<vmem_shared>> -> memref<128x16xf32, #tpu.memory_space<vmem_shared>>
      %dma_start3A_31 = arith.constant 0 : i32
      %dma_start3A_32 = tpu.memref_slice %arg6[%add3A_10, %dma_start3A_31] : memref<10240x16xf32, #tpu.memory_space<vmem_shared>> -> memref<128x16xf32, #tpu.memory_space<vmem_shared>>
      tpu.enqueue_dma source(%arg5 : memref<128x16xf32, #tpu.memory_space<vmem>>) target(%dma_start3A_32 : memref<128x16xf32, #tpu.memory_space<vmem_shared>>) target_semaphore(%run_scoped3A : memref<!tpu.dma_semaphore, #tpu.memory_space<semaphore_mem>>)
      %dma_wait3A = arith.constant 0 : i32
      %dma_wait3A_33 = tpu.memref_slice %arg6[%add3A_10, %dma_wait3A] : memref<10240x16xf32, #tpu.memory_space<vmem_shared>> -> memref<128x16xf32, #tpu.memory_space<vmem_shared>>
      %dma_wait3A_34 = arith.constant 0 : i32
      %dma_wait3A_35 = tpu.memref_slice %arg6[%add3A_10, %dma_wait3A_34] : memref<10240x16xf32, #tpu.memory_space<vmem_shared>> -> memref<128x16xf32, #tpu.memory_space<vmem_shared>>
      tpu.wait_dma2 semaphore(%run_scoped3A : memref<!tpu.dma_semaphore, #tpu.memory_space<semaphore_mem>>) src(%arg5 : memref<128x16xf32, #tpu.memory_space<vmem>>) dst(%dma_wait3A_35 : memref<128x16xf32, #tpu.memory_space<vmem_shared>>)
      tpu.yield
    }) : () -> ()
    %add3A_11 = arith.constant 128 : i32
    %add3A_12 = arith.addi %mul3A_2, %add3A_11 : i32
    "tpu.region"() ({
      %run_scoped3A = tpu.sem_alloc : memref<!tpu.dma_semaphore, #tpu.memory_space<semaphore_mem>>
      %dma_start3A = arith.constant 0 : i32
      %dma_start3A_30 = tpu.memref_slice %arg6[%add3A_12, %dma_start3A] : memref<10240x16xf32, #tpu.memory_space<vmem_shared>> -> memref<128x16xf32, #tpu.memory_space<vmem_shared>>
      %dma_start3A_31 = arith.constant 0 : i32
      %dma_start3A_32 = tpu.memref_slice %arg6[%add3A_12, %dma_start3A_31] : memref<10240x16xf32, #tpu.memory_space<vmem_shared>> -> memref<128x16xf32, #tpu.memory_space<vmem_shared>>
      tpu.enqueue_dma source(%arg5 : memref<128x16xf32, #tpu.memory_space<vmem>>) target(%dma_start3A_32 : memref<128x16xf32, #tpu.memory_space<vmem_shared>>) target_semaphore(%run_scoped3A : memref<!tpu.dma_semaphore, #tpu.memory_space<semaphore_mem>>)
      %dma_wait3A = arith.constant 0 : i32
      %dma_wait3A_33 = tpu.memref_slice %arg6[%add3A_12, %dma_wait3A] : memref<10240x16xf32, #tpu.memory_space<vmem_shared>> -> memref<128x16xf32, #tpu.memory_space<vmem_shared>>
      %dma_wait3A_34 = arith.constant 0 : i32
      %dma_wait3A_35 = tpu.memref_slice %arg6[%add3A_12, %dma_wait3A_34] : memref<10240x16xf32, #tpu.memory_space<vmem_shared>> -> memref<128x16xf32, #tpu.memory_space<vmem_shared>>
      tpu.wait_dma2 semaphore(%run_scoped3A : memref<!tpu.dma_semaphore, #tpu.memory_space<semaphore_mem>>) src(%arg5 : memref<128x16xf32, #tpu.memory_space<vmem>>) dst(%dma_wait3A_35 : memref<128x16xf32, #tpu.memory_space<vmem_shared>>)
      tpu.yield
    }) : () -> ()
    %add3A_13 = arith.constant 256 : i32
    %add3A_14 = arith.addi %mul3A_2, %add3A_13 : i32
    "tpu.region"() ({
      %run_scoped3A = tpu.sem_alloc : memref<!tpu.dma_semaphore, #tpu.memory_space<semaphore_mem>>
      %dma_start3A = arith.constant 0 : i32
      %dma_start3A_30 = tpu.memref_slice %arg6[%add3A_14, %dma_start3A] : memref<10240x16xf32, #tpu.memory_space<vmem_shared>> -> memref<128x16xf32, #tpu.memory_space<vmem_shared>>
      %dma_start3A_31 = arith.constant 0 : i32
      %dma_start3A_32 = tpu.memref_slice %arg6[%add3A_14, %dma_start3A_31] : memref<10240x16xf32, #tpu.memory_space<vmem_shared>> -> memref<128x16xf32, #tpu.memory_space<vmem_shared>>
      tpu.enqueue_dma source(%arg5 : memref<128x16xf32, #tpu.memory_space<vmem>>) target(%dma_start3A_32 : memref<128x16xf32, #tpu.memory_space<vmem_shared>>) target_semaphore(%run_scoped3A : memref<!tpu.dma_semaphore, #tpu.memory_space<semaphore_mem>>)
      %dma_wait3A = arith.constant 0 : i32
      %dma_wait3A_33 = tpu.memref_slice %arg6[%add3A_14, %dma_wait3A] : memref<10240x16xf32, #tpu.memory_space<vmem_shared>> -> memref<128x16xf32, #tpu.memory_space<vmem_shared>>
      %dma_wait3A_34 = arith.constant 0 : i32
      %dma_wait3A_35 = tpu.memref_slice %arg6[%add3A_14, %dma_wait3A_34] : memref<10240x16xf32, #tpu.memory_space<vmem_shared>> -> memref<128x16xf32, #tpu.memory_space<vmem_shared>>
      tpu.wait_dma2 semaphore(%run_scoped3A : memref<!tpu.dma_semaphore, #tpu.memory_space<semaphore_mem>>) src(%arg5 : memref<128x16xf32, #tpu.memory_space<vmem>>) dst(%dma_wait3A_35 : memref<128x16xf32, #tpu.memory_space<vmem_shared>>)
      tpu.yield
    }) : () -> ()
    %add3A_15 = arith.constant 384 : i32
    %add3A_16 = arith.addi %mul3A_2, %add3A_15 : i32
    "tpu.region"() ({
      %run_scoped3A = tpu.sem_alloc : memref<!tpu.dma_semaphore, #tpu.memory_space<semaphore_mem>>
      %dma_start3A = arith.constant 0 : i32
      %dma_start3A_30 = tpu.memref_slice %arg6[%add3A_16, %dma_start3A] : memref<10240x16xf32, #tpu.memory_space<vmem_shared>> -> memref<128x16xf32, #tpu.memory_space<vmem_shared>>
      %dma_start3A_31 = arith.constant 0 : i32
      %dma_start3A_32 = tpu.memref_slice %arg6[%add3A_16, %dma_start3A_31] : memref<10240x16xf32, #tpu.memory_space<vmem_shared>> -> memref<128x16xf32, #tpu.memory_space<vmem_shared>>
      tpu.enqueue_dma source(%arg5 : memref<128x16xf32, #tpu.memory_space<vmem>>) target(%dma_start3A_32 : memref<128x16xf32, #tpu.memory_space<vmem_shared>>) target_semaphore(%run_scoped3A : memref<!tpu.dma_semaphore, #tpu.memory_space<semaphore_mem>>)
      %dma_wait3A = arith.constant 0 : i32
      %dma_wait3A_33 = tpu.memref_slice %arg6[%add3A_16, %dma_wait3A] : memref<10240x16xf32, #tpu.memory_space<vmem_shared>> -> memref<128x16xf32, #tpu.memory_space<vmem_shared>>
      %dma_wait3A_34 = arith.constant 0 : i32
      %dma_wait3A_35 = tpu.memref_slice %arg6[%add3A_16, %dma_wait3A_34] : memref<10240x16xf32, #tpu.memory_space<vmem_shared>> -> memref<128x16xf32, #tpu.memory_space<vmem_shared>>
      tpu.wait_dma2 semaphore(%run_scoped3A : memref<!tpu.dma_semaphore, #tpu.memory_space<semaphore_mem>>) src(%arg5 : memref<128x16xf32, #tpu.memory_space<vmem>>) dst(%dma_wait3A_35 : memref<128x16xf32, #tpu.memory_space<vmem_shared>>)
      tpu.yield
    }) : () -> ()
    %add3A_17 = arith.constant 512 : i32
    %add3A_18 = arith.addi %mul3A_2, %add3A_17 : i32
    "tpu.region"() ({
      %run_scoped3A = tpu.sem_alloc : memref<!tpu.dma_semaphore, #tpu.memory_space<semaphore_mem>>
      %dma_start3A = arith.constant 0 : i32
      %dma_start3A_30 = tpu.memref_slice %arg6[%add3A_18, %dma_start3A] : memref<10240x16xf32, #tpu.memory_space<vmem_shared>> -> memref<128x16xf32, #tpu.memory_space<vmem_shared>>
      %dma_start3A_31 = arith.constant 0 : i32
      %dma_start3A_32 = tpu.memref_slice %arg6[%add3A_18, %dma_start3A_31] : memref<10240x16xf32, #tpu.memory_space<vmem_shared>> -> memref<128x16xf32, #tpu.memory_space<vmem_shared>>
      tpu.enqueue_dma source(%arg5 : memref<128x16xf32, #tpu.memory_space<vmem>>) target(%dma_start3A_32 : memref<128x16xf32, #tpu.memory_space<vmem_shared>>) target_semaphore(%run_scoped3A : memref<!tpu.dma_semaphore, #tpu.memory_space<semaphore_mem>>)
      %dma_wait3A = arith.constant 0 : i32
      %dma_wait3A_33 = tpu.memref_slice %arg6[%add3A_18, %dma_wait3A] : memref<10240x16xf32, #tpu.memory_space<vmem_shared>> -> memref<128x16xf32, #tpu.memory_space<vmem_shared>>
      %dma_wait3A_34 = arith.constant 0 : i32
      %dma_wait3A_35 = tpu.memref_slice %arg6[%add3A_18, %dma_wait3A_34] : memref<10240x16xf32, #tpu.memory_space<vmem_shared>> -> memref<128x16xf32, #tpu.memory_space<vmem_shared>>
      tpu.wait_dma2 semaphore(%run_scoped3A : memref<!tpu.dma_semaphore, #tpu.memory_space<semaphore_mem>>) src(%arg5 : memref<128x16xf32, #tpu.memory_space<vmem>>) dst(%dma_wait3A_35 : memref<128x16xf32, #tpu.memory_space<vmem_shared>>)
      tpu.yield
    }) : () -> ()
    %scan3A_19 = arith.constant 0 : i32
    %scan3A_20 = arith.constant 128 : i32
    %scan3A_21 = arith.addi %scan3A_19, %scan3A_20 : i32
    %scan3A_22 = arith.constant 1 : i32
    scf.for %scan3A_30 = %scan3A_19 to %scan3A_21 step %scan3A_22  : i32 {
      %mul3A_31 = arith.constant 1 : i32
      %mul3A_32 = arith.muli %scan3A_30, %mul3A_31 : i32
      %add3A_33 = arith.constant 0 : i32
      %add3A_34 = arith.addi %add3A_33, %mul3A_32 : i32
      %broadcast_in_dim3A = arith.constant 1.000000e+00 : f32
      %broadcast_in_dim3A_35 = vector.broadcast %broadcast_in_dim3A : f32 to vector<16xf32>
      %swap3A = arith.index_cast %add3A_34 : i32 to index
      %swap3A_36 = arith.constant 0 : index
      %swap3A_37 = tpu.vector_load %arg5[%swap3A, %swap3A_36] {strides = array<i32>} : memref<128x16xf32, #tpu.memory_space<vmem>>, vector<1x16xf32>,
      %swap3A_38 = vector.shape_cast %swap3A_37 : vector<1x16xf32> to vector<16xf32>
      %swap3A_39 = vector.shape_cast %broadcast_in_dim3A_35 : vector<16xf32> to vector<1x16xf32>
      tpu.vector_store %arg5[%swap3A, %swap3A_36], %swap3A_39 {strides = array<i32>} : memref<128x16xf32, #tpu.memory_space<vmem>>, vector<1x16xf32>,
    }
    %scan3A_23 = arith.constant 128 : i32
    %barrier3A = arith.constant 0 : index
    tpu.barrier barrier_id(%barrier3A)
    %scan3A_24 = arith.constant 0 : i32
    %scan3A_25 = arith.constant 80 : i32
    %scan3A_26 = arith.addi %scan3A_24, %scan3A_25 : i32
    %scan3A_27 = arith.constant 1 : i32
    scf.for %scan3A_30 = %scan3A_24 to %scan3A_26 step %scan3A_27  : i32 {
      %mul3A_31 = arith.constant 1 : i32
      %mul3A_32 = arith.muli %scan3A_30, %mul3A_31 : i32
      %add3A_33 = arith.constant 0 : i32
      %add3A_34 = arith.addi %add3A_33, %mul3A_32 : i32
      "tpu.region"() ({
        %run_scoped3A = tpu.sem_alloc : memref<!tpu.dma_semaphore, #tpu.memory_space<semaphore_mem>>
        %dma_start3A = arith.constant 0 : i32
        %dma_start3A_35 = tpu.memref_slice %arg4[%add3A_34, %dma_start3A] : memref<80x128xi32, #tpu.memory_space<vmem>> -> memref<1x128xi32, #tpu.memory_space<vmem>>
        %dma_start3A_36 = tpu.memref_squeeze %dma_start3A_35 : memref<1x128xi32, #tpu.memory_space<vmem>> -> memref<128xi32, #tpu.memory_space<vmem>>
        %dma_start3A_37 = arith.constant 0 : i32
        %dma_start3A_38 = arith.constant 0 : i32
        %dma_start3A_39 = tpu.memref_slice %arg6[%dma_start3A_37, %dma_start3A_38] : memref<10240x16xf32, #tpu.memory_space<vmem_shared>> -> memref<10240x16xf32, #tpu.memory_space<vmem_shared>>
        tpu.enqueue_indirect_dma source(%arg5 : memref<128x16xf32, #tpu.memory_space<vmem>>) target(%dma_start3A_39 : memref<10240x16xf32, #tpu.memory_space<vmem_shared>>) offsets(%dma_start3A_36 : memref<128xi32, #tpu.memory_space<vmem>>) semaphore(%run_scoped3A : memref<!tpu.dma_semaphore, #tpu.memory_space<semaphore_mem>>) {add = true}
        %dma_wait3A = arith.constant 0 : i32
        %dma_wait3A_40 = tpu.memref_slice %arg4[%add3A_34, %dma_wait3A] : memref<80x128xi32, #tpu.memory_space<vmem>> -> memref<1x128xi32, #tpu.memory_space<vmem>>
        %dma_wait3A_41 = tpu.memref_squeeze %dma_wait3A_40 : memref<1x128xi32, #tpu.memory_space<vmem>> -> memref<128xi32, #tpu.memory_space<vmem>>
        %dma_wait3A_42 = arith.constant 0 : i32
        %dma_wait3A_43 = arith.constant 0 : i32
        %dma_wait3A_44 = tpu.memref_slice %arg6[%dma_wait3A_42, %dma_wait3A_43] : memref<10240x16xf32, #tpu.memory_space<vmem_shared>> -> memref<10240x16xf32, #tpu.memory_space<vmem_shared>>
        tpu.wait_indirect_dma semaphore(%run_scoped3A : memref<!tpu.dma_semaphore, #tpu.memory_space<semaphore_mem>>) src(%arg5 : memref<128x16xf32, #tpu.memory_space<vmem>>) dst(%dma_wait3A_44 : memref<10240x16xf32, #tpu.memory_space<vmem_shared>>)
        tpu.yield
      }) : () -> ()
    }
    %scan3A_28 = arith.constant 80 : i32
    %barrier3A_29 = arith.constant 0 : index
    tpu.barrier barrier_id(%barrier3A_29)
    "tpu.region"() ({
      %run_scoped3A = tpu.sem_alloc : memref<!tpu.dma_semaphore, #tpu.memory_space<semaphore_mem>>
      %dma_start3A = arith.constant 0 : i32
      %dma_start3A_30 = tpu.memref_slice %arg3[%arg0, %mul3A_2, %dma_start3A] : memref<2x10240x16xf32, #tpu.memory_space<hbm>> -> memref<1x640x16xf32, #tpu.memory_space<hbm>>
      %dma_start3A_31 = tpu.memref_squeeze %dma_start3A_30 : memref<1x640x16xf32, #tpu.memory_space<hbm>> -> memref<640x16xf32, #tpu.memory_space<hbm>>
      %dma_start3A_32 = arith.constant 0 : i32
      %dma_start3A_33 = tpu.memref_slice %arg6[%mul3A_2, %dma_start3A_32] : memref<10240x16xf32, #tpu.memory_space<vmem_shared>> -> memref<640x16xf32, #tpu.memory_space<vmem_shared>>
      tpu.enqueue_dma source(%dma_start3A_33 : memref<640x16xf32, #tpu.memory_space<vmem_shared>>) target(%dma_start3A_31 : memref<640x16xf32, #tpu.memory_space<hbm>>) target_semaphore(%run_scoped3A : memref<!tpu.dma_semaphore, #tpu.memory_space<semaphore_mem>>)
      %dma_wait3A = arith.constant 0 : i32
      %dma_wait3A_34 = tpu.memref_slice %arg3[%arg0, %mul3A_2, %dma_wait3A] : memref<2x10240x16xf32, #tpu.memory_space<hbm>> -> memref<1x640x16xf32, #tpu.memory_space<hbm>>
      %dma_wait3A_35 = tpu.memref_squeeze %dma_wait3A_34 : memref<1x640x16xf32, #tpu.memory_space<hbm>> -> memref<640x16xf32, #tpu.memory_space<hbm>>
      %dma_wait3A_36 = arith.constant 0 : i32
      %dma_wait3A_37 = tpu.memref_slice %arg6[%mul3A_2, %dma_wait3A_36] : memref<10240x16xf32, #tpu.memory_space<vmem_shared>> -> memref<640x16xf32, #tpu.memory_space<vmem_shared>>
      tpu.wait_dma2 semaphore(%run_scoped3A : memref<!tpu.dma_semaphore, #tpu.memory_space<semaphore_mem>>) src(%dma_wait3A_37 : memref<640x16xf32, #tpu.memory_space<vmem_shared>>) dst(%dma_wait3A_35 : memref<640x16xf32, #tpu.memory_space<hbm>>)
      tpu.yield
    }) : () -> ()
    return
  }
}

module attributes {stable_mosaic.version = 14 : i64} {
  func.func @body(%arg0: i32, %arg1: memref<128x1024xf32, #tpu.memory_space<vmem>>, %arg2: memref<1024x128xf32, #tpu.memory_space<vmem>>, %arg3: memref<2x128x128xf32, #tpu.memory_space<vmem>>, %arg4: memref<128x128xf32, #tpu.memory_space<vmem>>, %arg5: memref<128x128xbf16, #tpu.memory_space<vmem>>) attributes {dimension_semantics = [#tpu.dimension_semantics<arbitrary>], iteration_bounds = array<i64: 10>, scalar_prefetch = 0 : i64, scratch_operands = 0 : i64, tpu.core_type = #tpu.core_type<tc>, window_params = [{transform_indices = @transform_0, window_bounds = array<i64: 128, 1024>}, {pipeline_mode = #tpu.pipeline_mode<synchronous>, transform_indices = @transform_1, window_bounds = array<i64: 1024, 128>}, {transform_indices = @transform_2, window_bounds = array<i64: 2, 128, 128>}, {transform_indices = @transform_3, window_bounds = array<i64: 128, 128>}, {transform_indices = @transform_4, window_bounds = array<i64: 128, 128>}]} {
    %get3A = arith.constant 0 : index
    %get3A_0 = arith.constant 0 : index
    %get3A_1 = vector.load %arg1[%get3A, %get3A_0] : memref<128x1024xf32, #tpu.memory_space<vmem>>, vector<128x1024xf32>
    %get3A_2 = arith.constant 0 : index
    %get3A_3 = arith.constant 0 : index
    %get3A_4 = vector.load %arg2[%get3A_2, %get3A_3] : memref<1024x128xf32, #tpu.memory_space<vmem>>, vector<1024x128xf32>
    %dot_general3A = arith.constant dense<0.000000e+00> : vector<128x128xf32>
    %dot_general3A_5 = tpu.matmul %get3A_1, %get3A_4, %dot_general3A {dimension_numbers = #tpu.dot_dimension_numbers<[1], [0], [0], [1], [0, 0, 1, 1], [], []>, transpose_lhs_hint = false} : vector<128x1024xf32>, vector<1024x128xf32>, vector<128x128xf32> -> vector<128x128xf32>
    %get3A_6 = arith.constant 0 : index
    %get3A_7 = arith.constant 0 : index
    %get3A_8 = arith.constant 0 : index
    %get3A_9 = vector.load %arg3[%get3A_6, %get3A_7, %get3A_8] : memref<2x128x128xf32, #tpu.memory_space<vmem>>, vector<1x128x128xf32>
    %get3A_10 = vector.shape_cast %get3A_9 : vector<1x128x128xf32> to vector<128x128xf32>
    %get3A_11 = arith.constant 1 : index
    %get3A_12 = arith.constant 0 : index
    %get3A_13 = arith.constant 0 : index
    %get3A_14 = vector.load %arg3[%get3A_11, %get3A_12, %get3A_13] : memref<2x128x128xf32, #tpu.memory_space<vmem>>, vector<1x128x128xf32>
    %get3A_15 = vector.shape_cast %get3A_14 : vector<1x128x128xf32> to vector<128x128xf32>
    %add3A = arith.addf %get3A_10, %get3A_15 : vector<128x128xf32>
    %add3A_16 = arith.constant 1.000000e+00 : f32
    %add3A_17 = vector.broadcast %add3A_16 : f32 to vector<128x128xf32>
    %add3A_18 = arith.addf %add3A, %add3A_17 : vector<128x128xf32>
    %rsqrt3A = math.rsqrt %add3A_18 : vector<128x128xf32>
    %swap3A = arith.constant 0 : index
    %swap3A_19 = arith.constant 0 : index
    %swap3A_20 = vector.load %arg4[%swap3A, %swap3A_19] : memref<128x128xf32, #tpu.memory_space<vmem>>, vector<128x128xf32>
    tpu.vector_store %arg4[%swap3A, %swap3A_19], %rsqrt3A {strides = array<i32>} : memref<128x128xf32, #tpu.memory_space<vmem>>, vector<128x128xf32>,
    %mul3A = arith.mulf %rsqrt3A, %dot_general3A_5 : vector<128x128xf32>
    %convert_element_type3A = arith.truncf %mul3A : vector<128x128xf32> to vector<128x128xbf16>
    %swap3A_21 = arith.constant 0 : index
    %swap3A_22 = arith.constant 0 : index
    %swap3A_23 = vector.load %arg5[%swap3A_21, %swap3A_22] : memref<128x128xbf16, #tpu.memory_space<vmem>>, vector<128x128xbf16>
    tpu.vector_store %arg5[%swap3A_21, %swap3A_22], %convert_element_type3A {strides = array<i32>} : memref<128x128xbf16, #tpu.memory_space<vmem>>, vector<128x128xbf16>,
    return
  }
  func.func @transform_0(%arg0: i32) -> (i32, i32) {
    %c0_i32 = arith.constant 0 : i32
    %c0_i32_0 = arith.constant 0 : i32
    return %arg0, %c0_i32 : i32, i32
  }
  func.func @transform_1(%arg0: i32) -> (i32, i32) {
    %c0_i32 = arith.constant 0 : i32
    %c0_i32_0 = arith.constant 0 : i32
    %c0_i32_1 = arith.constant 0 : i32
    return %c0_i32, %c0_i32_0 : i32, i32
  }
  func.func @transform_2(%arg0: i32) -> (i32, i32, i32) {
    %c0_i32 = arith.constant 0 : i32
    %c0_i32_0 = arith.constant 0 : i32
    %c0_i32_1 = arith.constant 0 : i32
    return %c0_i32, %arg0, %c0_i32_0 : i32, i32, i32
  }
  func.func @transform_3(%arg0: i32) -> (i32, i32) {
    %c0_i32 = arith.constant 0 : i32
    %c0_i32_0 = arith.constant 0 : i32
    return %arg0, %c0_i32 : i32, i32
  }
  func.func @transform_4(%arg0: i32) -> (i32, i32) {
    %c0_i32 = arith.constant 0 : i32
    %c0_i32_0 = arith.constant 0 : i32
    return %arg0, %c0_i32 : i32, i32
  }
}

module attributes {stable_mosaic.version = 14 : i64} {
  func.func @body(%arg0: i32, %arg1: memref<2x128x128xbf16, #tpu.memory_space<vmem>>, %arg2: memref<128x128xbf16, #tpu.memory_space<vmem>>, %arg3: memref<128x128xf32, #tpu.memory_space<vmem>>, %arg4: memref<1x128xf32, #tpu.memory_space<vmem>>, %arg5: memref<128x512xf32, #tpu.memory_space<vmem>>, %arg6: memref<128x512xf32, #tpu.memory_space<vmem>>, %arg7: memref<512x128xbf16, #tpu.memory_space<vmem>>, %arg8: memref<512x128xf32, #tpu.memory_space<vmem>>) attributes {dimension_semantics = [#tpu.dimension_semantics<arbitrary>], iteration_bounds = array<i64: 10>, scalar_prefetch = 0 : i64, scratch_operands = 0 : i64, tpu.core_type = #tpu.core_type<tc>, window_params = [{transform_indices = @transform_0, window_bounds = array<i64: 2, 128, 128>}, {transform_indices = @transform_1, window_bounds = array<i64: 128, 128>}, {transform_indices = @transform_2, window_bounds = array<i64: 128, 128>}, {pipeline_mode = #tpu.pipeline_mode<synchronous>, transform_indices = @transform_3, window_bounds = array<i64: 1, 128>}, {pipeline_mode = #tpu.pipeline_mode<synchronous>, transform_indices = @transform_4, window_bounds = array<i64: 128, 512>}, {pipeline_mode = #tpu.pipeline_mode<synchronous>, transform_indices = @transform_5, window_bounds = array<i64: 128, 512>}, {transform_indices = @transform_6, window_bounds = array<i64: 512, 128>}, {transform_indices = @transform_7, window_bounds = array<i64: 512, 128>}]} {
    %get3A = arith.constant 0 : index
    %get3A_0 = arith.constant 0 : index
    %get3A_1 = arith.constant 0 : index
    %get3A_2 = vector.load %arg1[%get3A, %get3A_0, %get3A_1] : memref<2x128x128xbf16, #tpu.memory_space<vmem>>, vector<1x128x128xbf16>
    %get3A_3 = vector.shape_cast %get3A_2 : vector<1x128x128xbf16> to vector<128x128xbf16>
    %get3A_4 = arith.constant 1 : index
    %get3A_5 = arith.constant 0 : index
    %get3A_6 = arith.constant 0 : index
    %get3A_7 = vector.load %arg1[%get3A_4, %get3A_5, %get3A_6] : memref<2x128x128xbf16, #tpu.memory_space<vmem>>, vector<1x128x128xbf16>
    %get3A_8 = vector.shape_cast %get3A_7 : vector<1x128x128xbf16> to vector<128x128xbf16>
    %add3A = arith.addf %get3A_3, %get3A_8 : vector<128x128xbf16>
    %convert_element_type3A = arith.extf %add3A : vector<128x128xbf16> to vector<128x128xf32>
    %get3A_9 = arith.constant 0 : index
    %get3A_10 = arith.constant 0 : index
    %get3A_11 = vector.load %arg2[%get3A_9, %get3A_10] : memref<128x128xbf16, #tpu.memory_space<vmem>>, vector<128x128xbf16>
    %convert_element_type3A_12 = arith.extf %get3A_11 : vector<128x128xbf16> to vector<128x128xf32>
    %add3A_13 = arith.addf %convert_element_type3A, %convert_element_type3A_12 : vector<128x128xf32>
    %get3A_14 = arith.constant 0 : index
    %get3A_15 = arith.constant 0 : index
    %get3A_16 = vector.load %arg3[%get3A_14, %get3A_15] : memref<128x128xf32, #tpu.memory_space<vmem>>, vector<128x128xf32>
    %mul3A = arith.mulf %get3A_16, %add3A_13 : vector<128x128xf32>
    %get3A_17 = arith.constant 0 : index
    %get3A_18 = arith.constant 0 : index
    %get3A_19 = vector.load %arg4[%get3A_17, %get3A_18] : memref<1x128xf32, #tpu.memory_space<vmem>>, vector<1x128xf32>
    %add3A_20 = vector.broadcast %get3A_19 : vector<1x128xf32> to vector<128x128xf32>
    %add3A_21 = arith.addf %mul3A, %add3A_20 : vector<128x128xf32>
    %max3A = arith.constant 0.000000e+00 : f32
    %max3A_22 = vector.broadcast %max3A : f32 to vector<128x128xf32>
    %max3A_23 = arith.maximumf %add3A_21, %max3A_22 : vector<128x128xf32>
    %get3A_24 = arith.constant 0 : index
    %get3A_25 = arith.constant 0 : index
    %get3A_26 = vector.load %arg5[%get3A_24, %get3A_25] : memref<128x512xf32, #tpu.memory_space<vmem>>, vector<128x512xf32>
    %dot_general3A = arith.constant dense<0.000000e+00> : vector<128x512xf32>
    %dot_general3A_27 = tpu.matmul %max3A_23, %get3A_26, %dot_general3A {dimension_numbers = #tpu.dot_dimension_numbers<[1], [0], [0], [1], [0, 0, 1, 1], [], []>, transpose_lhs_hint = false} : vector<128x128xf32>, vector<128x512xf32>, vector<128x512xf32> -> vector<128x512xf32>
    %get3A_28 = arith.constant 0 : index
    %get3A_29 = arith.constant 0 : index
    %get3A_30 = vector.load %arg3[%get3A_28, %get3A_29] : memref<128x128xf32, #tpu.memory_space<vmem>>, vector<128x128xf32>
    %get3A_31 = arith.constant 0 : index
    %get3A_32 = arith.constant 0 : index
    %get3A_33 = vector.load %arg6[%get3A_31, %get3A_32] : memref<128x512xf32, #tpu.memory_space<vmem>>, vector<128x512xf32>
    %dot_general3A_34 = arith.constant dense<0.000000e+00> : vector<128x512xf32>
    %dot_general3A_35 = tpu.matmul %get3A_30, %get3A_33, %dot_general3A_34 {dimension_numbers = #tpu.dot_dimension_numbers<[1], [0], [0], [1], [0, 0, 1, 1], [], []>, precision = #tpu.contract_precision<fp32>, transpose_lhs_hint = false} : vector<128x128xf32>, vector<128x512xf32>, vector<128x512xf32> -> vector<128x512xf32>
    %reshape3A = vector.shape_cast %dot_general3A_35 : vector<128x512xf32> to vector<512x128xf32>
    %swap3A = arith.constant 0 : index
    %swap3A_36 = arith.constant 0 : index
    %swap3A_37 = vector.load %arg8[%swap3A, %swap3A_36] : memref<512x128xf32, #tpu.memory_space<vmem>>, vector<512x128xf32>
    tpu.vector_store %arg8[%swap3A, %swap3A_36], %reshape3A {strides = array<i32>} : memref<512x128xf32, #tpu.memory_space<vmem>>, vector<512x128xf32>,
    %mul3A_38 = arith.mulf %dot_general3A_35, %dot_general3A_27 : vector<128x512xf32>
    %convert_element_type3A_39 = arith.truncf %mul3A_38 : vector<128x512xf32> to vector<128x512xbf16>
    %reshape3A_40 = vector.shape_cast %convert_element_type3A_39 : vector<128x512xbf16> to vector<512x128xbf16>
    %swap3A_41 = arith.constant 0 : index
    %swap3A_42 = arith.constant 0 : index
    %swap3A_43 = vector.load %arg7[%swap3A_41, %swap3A_42] : memref<512x128xbf16, #tpu.memory_space<vmem>>, vector<512x128xbf16>
    tpu.vector_store %arg7[%swap3A_41, %swap3A_42], %reshape3A_40 {strides = array<i32>} : memref<512x128xbf16, #tpu.memory_space<vmem>>, vector<512x128xbf16>,
    return
  }
  func.func @transform_0(%arg0: i32) -> (i32, i32, i32) {
    %c0_i32 = arith.constant 0 : i32
    %c0_i32_0 = arith.constant 0 : i32
    %c0_i32_1 = arith.constant 0 : i32
    return %c0_i32, %arg0, %c0_i32_0 : i32, i32, i32
  }
  func.func @transform_1(%arg0: i32) -> (i32, i32) {
    %c0_i32 = arith.constant 0 : i32
    %c0_i32_0 = arith.constant 0 : i32
    return %arg0, %c0_i32 : i32, i32
  }
  func.func @transform_2(%arg0: i32) -> (i32, i32) {
    %c0_i32 = arith.constant 0 : i32
    %c0_i32_0 = arith.constant 0 : i32
    return %arg0, %c0_i32 : i32, i32
  }
  func.func @transform_3(%arg0: i32) -> (i32, i32) {
    %c0_i32 = arith.constant 0 : i32
    %c0_i32_0 = arith.constant 0 : i32
    %c0_i32_1 = arith.constant 0 : i32
    return %c0_i32, %c0_i32_0 : i32, i32
  }
  func.func @transform_4(%arg0: i32) -> (i32, i32) {
    %c0_i32 = arith.constant 0 : i32
    %c0_i32_0 = arith.constant 0 : i32
    %c0_i32_1 = arith.constant 0 : i32
    return %c0_i32, %c0_i32_0 : i32, i32
  }
  func.func @transform_5(%arg0: i32) -> (i32, i32) {
    %c0_i32 = arith.constant 0 : i32
    %c0_i32_0 = arith.constant 0 : i32
    %c0_i32_1 = arith.constant 0 : i32
    return %c0_i32, %c0_i32_0 : i32, i32
  }
  func.func @transform_6(%arg0: i32) -> (i32, i32) {
    %c0_i32 = arith.constant 0 : i32
    %c0_i32_0 = arith.constant 0 : i32
    return %arg0, %c0_i32 : i32, i32
  }
  func.func @transform_7(%arg0: i32) -> (i32, i32) {
    %c0_i32 = arith.constant 0 : i32
    %c0_i32_0 = arith.constant 0 : i32
    return %arg0, %c0_i32 : i32, i32
  }
}

module attributes {stable_mosaic.version = 14 : i64} {
  func.func @body(%arg0: i32, %arg1: memref<2x1000x128xbf16, #tpu.memory_space<vmem>>, %arg2: memref<1000x128xbf16, #tpu.memory_space<vmem>>, %arg3: memref<1000x128xf32, #tpu.memory_space<vmem>>, %arg4: memref<1x128xf32, #tpu.memory_space<vmem>>, %arg5: memref<1000x128xf32, #tpu.memory_space<vmem>>) attributes {dimension_semantics = [#tpu.dimension_semantics<arbitrary>], iteration_bounds = array<i64: 5>, scalar_prefetch = 0 : i64, scratch_operands = 0 : i64, tpu.core_type = #tpu.core_type<tc>, window_params = [{transform_indices = @transform_0, window_bounds = array<i64: 2, 1000, 128>}, {transform_indices = @transform_1, window_bounds = array<i64: 1000, 128>}, {transform_indices = @transform_2, window_bounds = array<i64: 1000, 128>}, {pipeline_mode = #tpu.pipeline_mode<synchronous>, transform_indices = @transform_3, window_bounds = array<i64: 1, 128>}, {transform_indices = @transform_4, window_bounds = array<i64: 1000, 128>}]} {
    %get3A = arith.constant 0 : index
    %get3A_0 = arith.constant 0 : index
    %get3A_1 = arith.constant 0 : index
    %get3A_2 = vector.load %arg1[%get3A, %get3A_0, %get3A_1] : memref<2x1000x128xbf16, #tpu.memory_space<vmem>>, vector<1x1000x128xbf16>
    %get3A_3 = vector.shape_cast %get3A_2 : vector<1x1000x128xbf16> to vector<1000x128xbf16>
    %get3A_4 = arith.constant 1 : index
    %get3A_5 = arith.constant 0 : index
    %get3A_6 = arith.constant 0 : index
    %get3A_7 = vector.load %arg1[%get3A_4, %get3A_5, %get3A_6] : memref<2x1000x128xbf16, #tpu.memory_space<vmem>>, vector<1x1000x128xbf16>
    %get3A_8 = vector.shape_cast %get3A_7 : vector<1x1000x128xbf16> to vector<1000x128xbf16>
    %add3A = arith.addf %get3A_3, %get3A_8 : vector<1000x128xbf16>
    %convert_element_type3A = arith.extf %add3A : vector<1000x128xbf16> to vector<1000x128xf32>
    %get3A_9 = arith.constant 0 : index
    %get3A_10 = arith.constant 0 : index
    %get3A_11 = vector.load %arg2[%get3A_9, %get3A_10] : memref<1000x128xbf16, #tpu.memory_space<vmem>>, vector<1000x128xbf16>
    %convert_element_type3A_12 = arith.extf %get3A_11 : vector<1000x128xbf16> to vector<1000x128xf32>
    %add3A_13 = arith.addf %convert_element_type3A, %convert_element_type3A_12 : vector<1000x128xf32>
    %get3A_14 = arith.constant 0 : index
    %get3A_15 = arith.constant 0 : index
    %get3A_16 = vector.load %arg3[%get3A_14, %get3A_15] : memref<1000x128xf32, #tpu.memory_space<vmem>>, vector<1000x128xf32>
    %mul3A = arith.mulf %get3A_16, %add3A_13 : vector<1000x128xf32>
    %get3A_17 = arith.constant 0 : index
    %get3A_18 = arith.constant 0 : index
    %get3A_19 = vector.load %arg4[%get3A_17, %get3A_18] : memref<1x128xf32, #tpu.memory_space<vmem>>, vector<1x128xf32>
    %add3A_20 = vector.broadcast %get3A_19 : vector<1x128xf32> to vector<1000x128xf32>
    %add3A_21 = arith.addf %mul3A, %add3A_20 : vector<1000x128xf32>
    %swap3A = arith.constant 0 : index
    %swap3A_22 = arith.constant 0 : index
    %swap3A_23 = vector.load %arg5[%swap3A, %swap3A_22] : memref<1000x128xf32, #tpu.memory_space<vmem>>, vector<1000x128xf32>
    tpu.vector_store %arg5[%swap3A, %swap3A_22], %add3A_21 {strides = array<i32>} : memref<1000x128xf32, #tpu.memory_space<vmem>>, vector<1000x128xf32>,
    return
  }
  func.func @transform_0(%arg0: i32) -> (i32, i32, i32) {
    %c0_i32 = arith.constant 0 : i32
    %c0_i32_0 = arith.constant 0 : i32
    %c0_i32_1 = arith.constant 0 : i32
    return %c0_i32, %arg0, %c0_i32_0 : i32, i32, i32
  }
  func.func @transform_1(%arg0: i32) -> (i32, i32) {
    %c0_i32 = arith.constant 0 : i32
    %c0_i32_0 = arith.constant 0 : i32
    return %arg0, %c0_i32 : i32, i32
  }
  func.func @transform_2(%arg0: i32) -> (i32, i32) {
    %c0_i32 = arith.constant 0 : i32
    %c0_i32_0 = arith.constant 0 : i32
    return %arg0, %c0_i32 : i32, i32
  }
  func.func @transform_3(%arg0: i32) -> (i32, i32) {
    %c0_i32 = arith.constant 0 : i32
    %c0_i32_0 = arith.constant 0 : i32
    %c0_i32_1 = arith.constant 0 : i32
    return %c0_i32, %c0_i32_0 : i32, i32
  }
  func.func @transform_4(%arg0: i32) -> (i32, i32) {
    %c0_i32 = arith.constant 0 : i32
    %c0_i32_0 = arith.constant 0 : i32
    return %arg0, %c0_i32 : i32, i32
  }
}

</mosaic_0001>

<sc_bundles>
// kernel: kernel.11.cloned.1.call-start
scs
__scs_entry_jumppad:
0x0: {  	(pc) =	sbr.rel $0x88, $3  }
0x1: {  	(tag) =	ssettag $0x0;
	lr =	simm.s32 $0x1  }
0x2: {  	[smem:$0x3F9B] =	sst lr;
	_ =	strace $0xD0000000  }
0x3: {  	_ = 	snop  }
0x4: {  	_ = 	snop  }
0x5: {  	_ = 	snop  }
0x6: {  	_ = 	snop  }
0x7: {  	_ = 	snop  }
__scs_overlays_trampoline_lowered:
0x8: {  	[smem:$0x3FAA] =	sst s0  }
0x9: {  	[smem:$0x3FAB] =	sst s1  }
0xa: {  	[smem:$0x3FAC] =	sst s2  }
0xb: {  	[smem:$0x3FAD] =	sst s3  }
0xc: {  	[smem:$0x3FAE] =	sst s4  }
0xd: {  	[smem:$0x3FAF] =	sst s5  }
0xe: {  	[smem:$0x3FB0] =	sst s6  }
0xf: {  	[smem:$0x3FB1] =	sst s7  }
0x10: {  	[smem:$0x3FB2] =	sst s8  }
0x11: {  	[smem:$0x3FB3] =	sst s9;
	s0 =	simm.s32 @!p0 $0x0  }
0x12: {  	s1 =	sld [smem:$0x3F99];
	s0 =	simm.s32 @p0 $0x1  }
0x13: {  	[smem:$0x3FB4] =	sst s0;
	s0 =	simm.s32 @!p1 $0x0  }
0x14: {  	s2 =	sld [smem:$0x3F98];
	s0 =	simm.s32 @p1 $0x1  }
0x15: {  	[smem:$0x3FB5] =	sst s0;
	s0 =	simm.s32 @!p2 $0x0  }
0x16: {  	s3 =	sld [smem:$0x3FDB];
	s0 =	simm.s32 @p2 $0x1  }
0x17: {  	s4 =	simm.s32 $0x1BF5;
	[smem:$0x3FB7] =	sst s0  }
0x18: {  	s0 =	sld [smem:$0x3F9A];
	_ =	swait.ge [sflag:s4], $0x0  }
0x19: {  	s7 =	sld [smem:$0x3F9B]  }
0x1a: {  	s8 =	sadd.s32 $0xFFFFE003, lr  }
0x1b: {  	s9 =	sadd.s32 $0xFFFFFEF7, lr;
	s5 =	simm.s32 $0xFFFFFFFF;
	p2 =	slt.u32 s8, $0xFFFFF086  }
0x1c: {  	p1 =	slt.u32 s9, $0xF7A;
	s5 =	simm.s32 @!p2 $0x0  }
0x1d: {  	s5 =	simm.s32 @p1 $0x1;
	p0 =	seq.s32 s7, s2  }
0x1e: {  	s7 =	smul.u32 @!p0 $0xF7A, s2;
	p2 =	seq.s32 @!p0 s5, $0x0  }
0x1f: {  	s9 =	smul.u32 $0xF7A, s1;
	s8 =	simm.s32 @!p0 $0x1BF5;
	p2 =	por !p2, p0  }
0x20: {  	[sflag:s8] =	ssyncset.s32 @!p0 $0xFFFFF086;
	s6 =	sadd.s32 @!p0 s3, s7;
	s7 =	simm.s32 @!p0 $0x108  }
0x21: {  	s3 =	sadd.s32 s3, s9;
	s6 =	sadd.s32 @!p0 $0x88, s6;
	s7 =	simm.s32 @p2 $0x1082  }
0x22: {  	[simem:s7], [sflag:s8] =	dma.local @!p0 [hbm:s6], $0xF7A  }
0x23: {  	s9 =	sor.u32 $0xD0000000, s2;
	s6 =	simm.s32 $0x108;
	_ =	swait.ge @!p0 [sflag:s8], $0x0  }
0x24: {  	s3 =	sadd.s32 $0x88, s3;
	s6 =	simm.s32 @!p1 $0x1082;
	[sflag:s4] =	ssyncset.s32 $0xFFFFF086  }
0x25: {  	[simem:s6], [sflag:s4] =	dma.local [hbm:s3], $0xF7A  }
0x26: {  	[smem:$0x3F9B] =	sst s1;
	(tag) =	ssettag s2;
	_ =	strace s9  }
0x27: {  	s1 =	sld [smem:$0x3FAB]  }
0x28: {  	s2 =	sld [smem:$0x3FAC]  }
0x29: {  	s4 =	sld [smem:$0x3FAE]  }
0x2a: {  	p0 =	seq.s32 s5, $0x0;
	s5 =	sld [smem:$0x3FAF]  }
0x2b: {  	s6 =	sld [smem:$0x3FB0]  }
0x2c: {  	s7 =	sld [smem:$0x3FB1]  }
0x2d: {  	s3 =	simm.s32 $0x108;
	s8 =	sld [smem:$0x3FB2]  }
0x2e: {  	s3 =	simm.s32 @!p0 $0x1082;
	s9 =	sld [smem:$0x3FB3]  }
0x2f: {  	lr =	sadd.s32 s0, s3;
	s0 =	sld [smem:$0x3FAA]  }
0x30: {  	s3 =	sld [smem:$0x3FAD]  }
0x31: {  	[smem:$0x3FB6] =	sst s10  }
0x32: {  	s10 =	sld [smem:$0x3FB4];
	_ =	sdelay $0x3  }
0x33: {  	p0 =	seq.s32 s10, $0x1;
	s10 =	sld [smem:$0x3FB6];
	_ =	sdelay $0x3  }
0x34: {  	[smem:$0x3FB6] =	sst s10  }
0x35: {  	s10 =	sld [smem:$0x3FB5];
	_ =	sdelay $0x3  }
0x36: {  	p1 =	seq.s32 s10, $0x1;
	s10 =	sld [smem:$0x3FB6];
	_ =	sdelay $0x3  }
0x37: {  	[smem:$0x3FB6] =	sst s10  }
0x38: {  	s10 =	sld [smem:$0x3FB7]  }
0x39: {  	_ = 	snop;
	(pc) =	sbr.ind lr, $3  }
0x3a: {  	_ = 	snop  }
0x3b: {  	_ = 	snop  }
0x3c: {  	p2 =	seq.s32 s10, $0x1;
	s10 =	sld [smem:$0x3FB6]  }
0x3d: {  	_ =	shalt  }
0x3e: {  	_ =	shalt  }
0x3f: {  	_ =	shalt  }
0x40: {  	_ =	shalt  }
0x41: {  	_ =	shalt  }
0x42: {  	_ =	shalt  }
0x43: {  	_ =	shalt  }
0x44: {  	_ =	shalt  }
0x45: {  	_ =	shalt  }
0x46: {  	_ =	shalt  }
0x47: {  	_ =	shalt  }
0x48: {  	_ =	shalt  }
0x49: {  	_ =	shalt  }
0x4a: {  	_ =	shalt  }
0x4b: {  	_ =	shalt  }
0x4c: {  	_ =	shalt  }
0x4d: {  	_ =	shalt  }
0x4e: {  	_ =	shalt  }
0x4f: {  	_ =	shalt  }
0x50: {  	_ =	shalt  }
0x51: {  	_ =	shalt  }
0x52: {  	_ =	shalt  }
0x53: {  	_ =	shalt  }
0x54: {  	_ =	shalt  }
0x55: {  	_ =	shalt  }
0x56: {  	_ =	shalt  }
0x57: {  	_ =	shalt  }
0x58: {  	_ =	shalt  }
0x59: {  	_ =	shalt  }
0x5a: {  	_ =	shalt  }
0x5b: {  	_ =	shalt  }
0x5c: {  	_ =	shalt  }
0x5d: {  	_ =	shalt  }
0x5e: {  	_ =	shalt  }
0x5f: {  	_ =	shalt  }
0x60: {  	_ =	shalt  }
0x61: {  	_ =	shalt  }
0x62: {  	_ =	shalt  }
0x63: {  	_ =	shalt  }
0x64: {  	_ =	shalt  }
0x65: {  	_ =	shalt  }
0x66: {  	_ =	shalt  }
0x67: {  	_ =	shalt  }
0x68: {  	_ =	shalt  }
0x69: {  	_ =	shalt  }
0x6a: {  	_ =	shalt  }
0x6b: {  	_ =	shalt  }
0x6c: {  	_ =	shalt  }
0x6d: {  	_ =	shalt  }
0x6e: {  	_ =	shalt  }
0x6f: {  	_ =	shalt  }
0x70: {  	_ =	shalt  }
0x71: {  	_ =	shalt  }
0x72: {  	_ =	shalt  }
0x73: {  	_ =	shalt  }
0x74: {  	_ =	shalt  }
0x75: {  	_ =	shalt  }
0x76: {  	_ =	shalt  }
0x77: {  	_ =	shalt  }
0x78: {  	_ =	shalt  }
0x79: {  	_ =	shalt  }
0x7a: {  	_ =	shalt  }
0x7b: {  	_ =	shalt  }
0x7c: {  	_ =	shalt  }
0x7d: {  	_ =	shalt  }
0x7e: {  	_ =	shalt  }
0x7f: {  	_ =	shalt  }
0x80: {  	_ =	shalt  }
0x81: {  	_ =	shalt  }
0x82: {  	_ =	shalt  }
0x83: {  	_ =	shalt  }
0x84: {  	_ =	shalt  }
0x85: {  	_ =	shalt  }
0x86: {  	_ =	shalt  }
0x87: {  	_ =	shalt  }
.Lfunc_end0:
.L_simem_size_0:
called_computation.1_lowered:
.L_overlay_start_0:
0x88: {  	s2 =	sld [smem:$0x3FD9]  }
0x89: {  	s3 =	sld [smem:$0x3FFE];
	_ =	sdelay $0x1  }
0x8a: {  	s1 =	srdreg.scid  }
0x8b: {  	s0 =	sand.u32 $0x1, s1  }
0x8c: {  	s17 =	sshll.u32 s0, $0xA;
	s2 =	sadd.s32 s3, s2  }
0x8d: {  	s2 =	sadd.s32 s2, s17  }
0x8e: {  	[smem:$0x3FC2] =	sst s2  }
0x8f: {  	_ = 	snop  }
0x90: {  	s2 =	sld [smem:$0x3FD0];
	(tm) =	ssettm $0x1  }
0x91: {  	s18 =	sld [smem:$0x3FFB];
	_ =	sdelay $0x3  }
0x92: {  	_ =	strace s18  }
0x93: {  	s3 =	sld [smem:$0x3FFC];
	_ =	sdelay $0x3  }
0x94: {  	_ =	strace s3  }
0x95: {  	s3 =	sld [smem:$0x3FFD];
	_ =	sdelay $0x3  }
0x96: {  	_ =	strace s3  }
0x97: {  	_ =	strace $0x8FFFFFFF  }
0x98: {  	s19 =	sld [smem:$0x3FDB];
	_ =	sdelay $0x1  }
0x99: {  	s4 =	simm.s32 $_scs_section_size  }
0x9a: {  	s5 =	simm.s32 $_size__tile_overlayer_lowered;
	s6 =	simm.s32 $_tile_overlayer_lowered  }
0x9b: {  	s22 =	simm.s32 $0x1BFF;
	s21 =	sshll.u32 s6, $0x1;
	s3 =	sadd.s32 s4, s19  }
0x9c: {  	s7 =	simm.s32 $0x0;
	s20 =	sshll.u32 s5, $0x1;
	s5 =	sadd.s32 s21, s3  }
0x9d: {  	[timem:s7], [sflag:s22] =	dma.local [hbm:s5], s20  }
0x9e: {  	_ =	swait.ge [sflag:s22], s20  }
0x9f: {  	s4 =	ssub.s32 $0x0, s20;
	[sflag:s22] =	ssyncset.done $0x0  }
0xa0: {  	[sflag:s22] =	ssyncadd.s32 s4;
	_ =	sdelay $0x1  }
0xa1: {  	s23 =	simm.s32 $0x1B8B  }
0xa2: {  	_ =	swait.ge [sflag:s23], $0x1  }
0xa3: {  	[sflag:s23] =	ssyncset.done $0x0  }
0xa4: {  	s25 =	simm.s32 $0x1B8E;
	s24 =	sld [smem:$0x3FFE];
	[sflag:s23] =	ssyncadd.s32 $0xFFFFFFFF  }
0xa5: {  	s26 =	simm.s32 $execute0_lowered;
	[smem:$0x3FD2] =	sst s25  }
0xa6: {  	s5 =	sshll.u32 s26, $0x1;
	_ =	strace $0x80000049;
	[dreg:$0x1] =	wrdreg $0xFFFFFFFF  }
0xa7: {  	s28 =	simm.s32 $_size_execute0_lowered;
	s3 =	sadd.s32 s3, s5;
	[dreg:$0x0] =	wrdreg $0x0  }
0xa8: {  	s5 =	sshll.u32 s28, $0x1;
	[dreg:$0x2] =	wrdreg s3  }
0xa9: {  	[dreg:$0x3] =	wrdreg s5  }
0xaa: {  	[dreg:$0x4] =	wrdreg $0xC0  }
0xab: {  	_ =	task [dreg:s7], $0x5FFFF  }
0xac: {  	[dreg:$0x1] =	wrdreg $0xFFFFFFFF  }
0xad: {  	[dreg:$0x0] =	wrdreg $0x60  }
0xae: {  	[dreg:$0x2] =	wrdreg s24  }
0xaf: {  	[dreg:$0x3] =	wrdreg s2  }
0xb0: {  	[dreg:$0x4] =	wrdreg $0x5C000  }
0xb1: {  	[dreg:$0x5] =	wrdreg $0x9  }
0xb2: {  	_ =	task.clear_ibuf [dreg:s7], $0x6FFFF;
	_ =	strace $0x90000049  }
0xb3: {  	s29 =	simm.s32 $0x9;
	_ =	strace $0x8000004B  }
0xb4: {  	_ =	swait.ge [sflag:s29], $0x1  }
0xb5: {  	[sflag:s29] =	ssyncadd.s32 $0xFFFFFFFF  }
0xb6: {  	_ =	strace $0x9000004B  }
0xb7: {  	_ =	sfence  }
0xb8: {  	s30 =	sld [smem:$0x0];
	_ =	sdelay $0x2  }
0xb9: {  	s31 =	sshll.u32 s1, $0xD;
	s1 =	sshrl.u32 s1, $0x2  }
0xba: {  	s3 =	sand.u32 $0x4000, s31;
	s1 =	sadd.s32 s1, s30  }
0xbb: {  	s0 =	sor.u32 s3, s0;
	s1 =	sshll.u32 s1, $0x11  }
0xbc: {  	s0 =	sor.u32 s1, s0  }
0xbd: {  	s0 =	sadd.s32 $0x8F2B, s0  }
0xbe: {  	[sflag:s0] =	ssyncadd.remote.s32 $0x1  }
0xbf: {  	_ =	sfence.sel $0xFFFF  }
0xc0: {  	[dreg:$0x0] =	wrdreg $0xFFFFFFFF;
	(pc) =	sbr.abs _section_cstart, $3  }
0xc1: {  	[dreg:$0x1] =	wrdreg $0xFFFFFFFF  }
0xc2: {  	_ =	task.clear_ibuf [dreg:s7], $0x2FFFF;
	_ =	strace $0x9FFFFFFF  }
0xc3: {  	(tm) =	ssettm $0x7FFFFFFF  }
tec
execute0_lowered:
.L_overlay_start_1:
0x0: {  	(tag) =	ssettag $0x1  }
0x1: {  	s0 =	rddreg [dreg:$0x0]  }
0x2: {  	s1 =	rddreg [dreg:$0x1]  }
0x3: {  	s2 =	rddreg [dreg:$0x2];
	s11 =	stileid.u32;
	s3 =	simm.s32 $0x0  }
0x4: {  	s4 =	srdreg.scid;
	s16 =	simm.s32 $0x3;
	s18 =	simm.s32 $0x5400  }
0x5: {  	s19 =	simm.s32 $0x80;
	s20 =	simm.s32 $0x5800;
	s5 =	smul.u32 $0x4C, s11  }
0x6: {  	s21 =	simm.s32 $0x1;
	s6 =	sand.u32 $0x1, s4;
	s4 =	smul.u32 $0x54, s11  }
0x7: {  	s22 =	simm.s32 $0x2;
	s23 =	simm.s32 $0x0;
	s7 =	smul.u32 $0x2800, s11  }
0x8: {  	[smem:$0x7FF] =	sst s3;
	s26 =	smul.u32 $0x5000, s11;
	p0 =	seq.s32 s6, $0x0  }
0x9: {  	s8 =	smul.u32 $0x28000, s6;
	_ =	strace $0x8000004A;
	s6 =	ssub.s32 $0x2, s6  }
0xa: {  	s5 =	sadd.s32 $0x540, s5;
	s28 =	sshrl.u32 s6, $0x1;
	s30 =	sshrl.u32 s7, $0x1  }
0xb: {  	s5 =	smov.u32 @p0 s4;
	s4 =	sadd.s32 $0x1E00, s0;
	s25 =	sadd.s32 s7, s8  }
0xc: {  	s14 =	ssub.s32 s6, s28;
	s8 =	sshrl.u32 s26, $0x2;
	s9 =	sshll.u32 s5, $0x4  }
0xd: {  	s5 =	sshrl.u32 s25, $0x4;
	s12 =	sadd.s32 s8, s2;
	s8 =	sadd.s32 s30, s2  }
0xe: {  	s14 =	smax.u32 s14, $0x1;
	s10 =	sadd.s32 s9, s0;
	s0 =	sadd.s32 s5, s0  }
0xf: {  	s5 =	simm.s32 $0x54;
	s7 =	sadd.s32 s1, s9;
	s9 =	sadd.s32 $0x400, s12  }
0x10: {  	s11 =	sadd.s32 $0xC00, s12;
	s5 =	simm.s32 @!p0 $0x4C;
	s29 =	sadd.s32 $0xBE00, s10  }
0x11: {  	s10 =	sadd.s32 $0x800, s12;
	s12 =	sadd.s32 $0x1000, s12;
	s31 =	sshrl.u32 s5, $0x1  }
0x12: {  	v0 =	vimm.bf16 $0.0e+00;
	s13 =	sadd.s32 $0x4600, s0;
	[dreg:$0x4] =	wrdreg s29;
	s15 =	sadd.s32 $0xFFFFFFFF, s31  }
.LBB2_1:
0x13: {  	s0 =	rddreg [dreg:$0x4]  }
0x14: {  	[tilespmem:s3], [sflag:$0x3] =	stream.linear.gather [hbm4b:s0+s3], $0x2A00, $0x38;
	[tilespmem:$0x7000] =	vst v63  }
0x15: {  	_ =	swait.ge [sflag:s16], $0x2A00  }
0x16: {  	[sflag:s16] =	ssyncset.done $0x0  }
0x17: {  	s31 =	simm.s32 $0x2A00;
	[sflag:s16] =	ssyncadd.s32 $0xFFFFD600  }
0x18: {  	[tilespmem:s31], [sflag:$0x3] =	stream.linear.gather [hbm4b:s7+s3], $0x2A00, $0x38;
	[tilespmem:$0x7000] =	vst v63  }
0x19: {  	_ =	swait.ge [sflag:s16], $0x2A00  }
0x1a: {  	[sflag:s16] =	ssyncset.done $0x0  }
0x1b: {  	s1 =	simm.s32 $0x0;
	s0 =	simm.s32 $0x40;
	[sflag:s16] =	ssyncadd.s32 $0xFFFFD600  }
.LBB2_2:
0x1c: {  	p0 =	sne.s32 s0, $0xFC0;
	[tilespmem:s1+$0x5400] =	vst.msk $0xff, v0;
	s24 =	smov.u32 s0;
	s0 =	sadd.s32 $0x40, s0  }
.Ltmp0:
0x1d: {  	[tilespmem:s1+$0x5408] =	vst.msk $0xff, v0;
	(pc) =	sbr.rel @p0 .LBB2_2-.Ltmp0, $2  }
0x1e: {  	_ =	sdelay $0x2  }
0x1f: {  	s1 =	sshra.s32 s24, $0x2  }
0x20: {  	[tilespmem:s1+$0x5400] =	vst.msk $0xff, v0  }
0x21: {  	[tilespmem:s1+$0x5408] =	vst.msk $0xff, v0;
	s0 =	simm.s32 $0x3  }
0x22: {  	[spmem:s8] =	stream.linear.scatter [tilespmem:s18], [sflag:$0x3], $0x400, $0x38;
	[tilespmem:$0x7000] =	vst v63  }
0x23: {  	_ =	swait.ge [sflag:s0], $0x400  }
0x24: {  	[sflag:s0] =	ssyncset.done $0x0  }
0x25: {  	[sflag:s0] =	ssyncadd.s32 $0xFFFFFC00  }
0x26: {  	[spmem:s9] =	stream.linear.scatter [tilespmem:s18], [sflag:$0x3], $0x400, $0x38;
	[tilespmem:$0x7000] =	vst v63  }
0x27: {  	_ =	swait.ge [sflag:s0], $0x400  }
0x28: {  	[sflag:s0] =	ssyncset.done $0x0  }
0x29: {  	[sflag:s0] =	ssyncadd.s32 $0xFFFFFC00  }
0x2a: {  	[spmem:s10] =	stream.linear.scatter [tilespmem:s18], [sflag:$0x3], $0x400, $0x38;
	[tilespmem:$0x7000] =	vst v63  }
0x2b: {  	_ =	swait.ge [sflag:s0], $0x400  }
0x2c: {  	[sflag:s0] =	ssyncset.done $0x0  }
0x2d: {  	[sflag:s0] =	ssyncadd.s32 $0xFFFFFC00  }
0x2e: {  	[spmem:s11] =	stream.linear.scatter [tilespmem:s18], [sflag:$0x3], $0x400, $0x38;
	[tilespmem:$0x7000] =	vst v63  }
0x2f: {  	_ =	swait.ge [sflag:s0], $0x400  }
0x30: {  	[sflag:s0] =	ssyncset.done $0x0  }
0x31: {  	[sflag:s0] =	ssyncadd.s32 $0xFFFFFC00  }
0x32: {  	[spmem:s12] =	stream.linear.scatter [tilespmem:s18], [sflag:$0x3], $0x400, $0x38;
	[tilespmem:$0x7000] =	vst v63  }
0x33: {  	_ =	swait.ge [sflag:s0], $0x400  }
0x34: {  	[sflag:s0] =	ssyncset.done $0x0  }
0x35: {  	[sflag:s0] =	ssyncadd.s32 $0xFFFFFC00  }
0x36: {  	[bflag:$0x0] =	sbarrier.arrive $0xFFFF  }
0x37: {  	[tilespmem:s18], [sflag:$0x1] =	stream.indirect.gather [hbm4b:s4+s19], $0x8, s3, s19, $0xb8;
	[tilespmem:$0x7000] =	vst v63  }
0x38: {  	_ = 	snop  }
0x39: {  	[tilespmem:s20], [sflag:$0x2] =	stream.indirect.gather [hbm4b:s4+s19], $0x8, s19, s19, $0xb8;
	[tilespmem:$0x7000] =	vst v63  }
0x3a: {  	_ =	swait.ge [sflag:s21], $0x400  }
0x3b: {  	[sflag:s21] =	ssyncset.done $0x0  }
0x3c: {  	s26 =	simm.s32 $0x2A00;
	[sflag:s21] =	ssyncadd.s32 $0xFFFFFC00  }
0x3d: {  	[spmem:s2] =	stream.indirect.scatter.add.bf16 [tilespmem:s18], [sflag:$0x3], $0x8, s26, s19, $0xb8;
	[tilespmem:$0x7000] =	vst v63  }
0x3e: {  	p0 =	sle.u32 s5, $0x2;
	s29 =	sadd.s32 $0xFFFFFFFF, s15;
	_ =	swait.ge [sflag:s16], $0x400  }
0x3f: {  	s28 =	simm.s32 $0x2A80;
	s1 =	simm.s32 @!p0 $0x80;
	[sflag:s16] =	ssyncset.done $0x0  }
0x40: {  	s24 =	simm.s32 @!p0 $0x5400;
	s0 =	simm.s32 @!p0 $0x100;
	[sflag:s16] =	ssyncadd.s32 $0xFFFFFC00  }
0x41: {  	[tilespmem:s24], [sflag:$0x1] =	stream.indirect.gather @!p0 [hbm4b:s4+s1], $0x8, s0, s1, $0xb8;
	[tilespmem:$0x7000] =	vst v63  }
0x42: {  	p1 =	sle.u32 s5, $0x3;
	p0 =	sne.s32 s29, $0x0;
	_ =	swait.ge [sflag:s22], $0x400  }
.Ltmp1:
0x43: {  	s25 =	simm.s32 $0x5;
	[sflag:s22] =	ssyncset.done $0x0;
	(pc) =	sbr.rel @!p0 .LBB2_5-.Ltmp1, $4  }
0x44: {  	s31 =	simm.s32 $0x180;
	s30 =	simm.s32 $0x180;
	[sflag:s22] =	ssyncadd.s32 $0xFFFFFC00  }
0x45: {  	[spmem:s2] =	stream.indirect.scatter.add.bf16 [tilespmem:s20], [sflag:$0x3], $0x8, s28, s19, $0xb8;
	[tilespmem:$0x7000] =	vst v63  }
0x46: {  	s26 =	simm.s32 $0x2B80;
	s24 =	simm.s32 $0x180;
	_ =	swait.ge [sflag:s16], $0x400  }
0x47: {  	s0 =	simm.s32 @!p1 $0x80;
	s1 =	simm.s32 @!p1 $0x5800;
	[sflag:s16] =	ssyncset.done $0x0  }
.LBB2_4:
0x48: {  	s30 =	smov.u32 s24;
	s28 =	smov.u32 s26  }
0x49: {  	s29 =	sadd.s32 $0xFFFFFFFF, s29;
	s24 =	sadd.s32 $0x100, s24;
	[sflag:s16] =	ssyncadd.s32 $0xFFFFFC00  }
0x4a: {  	[tilespmem:s1], [sflag:$0x2] =	stream.indirect.gather @!p1 [hbm4b:s4+s0], $0x8, s31, s0, $0xb8;
	[tilespmem:$0x7000] =	vst v63  }
0x4b: {  	p0 =	sne.s32 s29, $0x0;
	s31 =	smov.u32 s24;
	_ =	swait.ge [sflag:s21], $0x400  }
0x4c: {  	s0 =	sadd.s32 $0xFFFFFF80, s26;
	s1 =	smov.u32 s26;
	[sflag:s21] =	ssyncset.done $0x0  }
0x4d: {  	s17 =	sadd.s32 $0xFFFFFFFF, s25;
	[sflag:s21] =	ssyncadd.s32 $0xFFFFFC00  }
0x4e: {  	[spmem:s2] =	stream.indirect.scatter.add.bf16 [tilespmem:s18], [sflag:$0x3], $0x8, s0, s19, $0xb8;
	[tilespmem:$0x7000] =	vst v63  }
0x4f: {  	p1 =	sge.u32 s17, s5;
	_ =	swait.ge [sflag:s16], $0x400  }
0x50: {  	s17 =	simm.s32 @!p1 $0x80;
	s0 =	sadd.s32 @!p1 $0xFFFFFF80, s24;
	[sflag:s16] =	ssyncset.done $0x0  }
0x51: {  	s6 =	simm.s32 @!p1 $0x5400;
	[sflag:s16] =	ssyncadd.s32 $0xFFFFFC00  }
0x52: {  	[tilespmem:s6], [sflag:$0x1] =	stream.indirect.gather @!p1 [hbm4b:s4+s17], $0x8, s0, s17, $0xb8;
	[tilespmem:$0x7000] =	vst v63  }
0x53: {  	_ =	swait.ge [sflag:s22], $0x400  }
.Ltmp2:
0x54: {  	[sflag:s22] =	ssyncset.done $0x0;
	(pc) =	sbr.rel @p0 .LBB2_4-.Ltmp2, $4  }
0x55: {  	s26 =	sadd.s32 $0x100, s26;
	[sflag:s22] =	ssyncadd.s32 $0xFFFFFC00  }
0x56: {  	[spmem:s2] =	stream.indirect.scatter.add.bf16 [tilespmem:s20], [sflag:$0x3], $0x8, s1, s19, $0xb8;
	[tilespmem:$0x7000] =	vst v63  }
0x57: {  	p1 =	sge.u32 s25, s5;
	s25 =	sadd.s32 $0x2, s25;
	_ =	swait.ge [sflag:s16], $0x400  }
0x58: {  	s0 =	simm.s32 @!p1 $0x80;
	s1 =	simm.s32 @!p1 $0x5800;
	[sflag:s16] =	ssyncset.done $0x0  }
.LBB2_5:
0x59: {  	[sflag:s16] =	ssyncadd.s32 $0xFFFFFC00  }
0x5a: {  	[tilespmem:s1], [sflag:$0x2] =	stream.indirect.gather @!p1 [hbm4b:s4+s0], $0x8, s31, s0, $0xb8;
	[tilespmem:$0x7000] =	vst v63  }
0x5b: {  	_ =	swait.ge [sflag:s21], $0x400  }
0x5c: {  	[sflag:s21] =	ssyncset.done $0x0  }
0x5d: {  	s28 =	sadd.s32 $0x80, s28;
	s29 =	sadd.s32 $0xFFFFFFFF, s25;
	[sflag:s21] =	ssyncadd.s32 $0xFFFFFC00  }
0x5e: {  	[spmem:s2] =	stream.indirect.scatter.add.bf16 [tilespmem:s18], [sflag:$0x3], $0x8, s28, s19, $0xb8;
	[tilespmem:$0x7000] =	vst v63  }
0x5f: {  	p0 =	sge.u32 s29, s5;
	_ =	swait.ge [sflag:s16], $0x400  }
0x60: {  	s0 =	sadd.s32 @!p0 $0x80, s30;
	[sflag:s16] =	ssyncset.done $0x0  }
0x61: {  	s1 =	simm.s32 @!p0 $0x80;
	s6 =	simm.s32 @!p0 $0x5400;
	[sflag:s16] =	ssyncadd.s32 $0xFFFFFC00  }
0x62: {  	[tilespmem:s6], [sflag:$0x1] =	stream.indirect.gather @!p0 [hbm4b:s4+s1], $0x8, s0, s1, $0xb8;
	[tilespmem:$0x7000] =	vst v63  }
0x63: {  	_ =	swait.ge [sflag:s22], $0x400  }
0x64: {  	[sflag:s22] =	ssyncset.done $0x0  }
0x65: {  	[sflag:s22] =	ssyncadd.s32 $0xFFFFFC00  }
0x66: {  	[spmem:s2] =	stream.indirect.scatter.add.bf16 [tilespmem:s20], [sflag:$0x3], $0x8, s26, s19, $0xb8;
	[tilespmem:$0x7000] =	vst v63  }
0x67: {  	s23 =	sadd.s32 $0x1, s23;
	s30 =	stileid.u32;
	_ =	swait.ge [sflag:s16], $0x400  }
0x68: {  	s0 =	sadd.s32 $0x100, s24;
	p0 =	sge.u32 s25, s5;
	[sflag:s16] =	ssyncset.done $0x0  }
0x69: {  	s1 =	simm.s32 @!p0 $0x80;
	s6 =	simm.s32 @!p0 $0x5800;
	[sflag:s16] =	ssyncadd.s32 $0xFFFFFC00  }
0x6a: {  	[tilespmem:s6], [sflag:$0x2] =	stream.indirect.gather @!p0 [hbm4b:s4+s1], $0x8, s0, s1, $0xb8;
	[tilespmem:$0x7000] =	vst v63  }
0x6b: {  	s31 =	sshrl.u32 s8, $0x3;
	s0 =	sshll.u32 s30, $0x6;
	p0 =	sne.s32 s23, s14  }
.Ltmp3:
0x6c: {  	[bflag:$0x0] =	sbarrier.arrive $0xFFFF;
	s0 =	sor.u32 $0x1C03, s0;
	(pc) =	sbr.rel @p0 .LBB2_1-.Ltmp3, $4  }
0x6d: {  	[hbm:s13], [sflag:s0] =	dma.local [spmem:s31], $0x280  }
0x6e: {  	_ =	swait.ge [sflag:s16], $0x280  }
0x6f: {  	[sflag:s16] =	ssyncset.done $0x0  }
0x70: {  	[sflag:s16] =	ssyncadd.s32 $0xFFFFFD80  }
0x71: {  	_ =	sfence.sel $0x180000  }
0x72: {  	[bflag:$0x0] =	sbarrier.arrive $0xFFFF  }
0x73: {  	_ =	strace $0x9000004A  }
0x74: {  	s0 =	stileid.u32;
	[bflag:$0x2] =	sbarrier.arrive $0xFFFF  }
0x75: {  	p0 =	sne.s32 s0, $0x0;
	s0 =	rddreg [dreg:$0x3]  }
0x76: {  	s0 =	sadd.s32 @!p0 $0x100000, s0  }
0x77: {  	[sflag:s0] =	ssyncadd.tile.s32 @!p0 $0x1;
	_ =	shalt  }
.Lfunc_end2:
_tile_overlayer_lowered:
.L_overlay_start_2:
0x78: {  	(tag) =	ssettag $0x2  }
0x79: {  	s0 =	rddreg [dreg:$0x0];
	s2 =	stileid.u32  }
0x7a: {  	s1 =	rddreg [dreg:$0x1];
	p0 =	sne.s32 s2, $0x0  }
0x7b: {  	s3 =	rddreg [dreg:$0x2];
	[bflag:$0x3] =	sbarrier.arrive $0xFFFF;
	s2 =	simm.s32 @!p0 $0x1C03  }
0x7c: {  	[timem:s3], [sflag:s2] =	dma.local @!p0 [hbm:s0], s1  }
0x7d: {  	s0 =	simm.s32 @!p0 $0x3  }
0x7e: {  	_ =	swait.ge @!p0 [sflag:s0], s1  }
0x7f: {  	s1 =	ssub.s32 @!p0 $0x0, s1;
	[sflag:s0] =	ssyncset.done @!p0 $0x0  }
0x80: {  	[sflag:s0] =	ssyncadd.s32 @!p0 s1  }
0x81: {  	[bflag:$0x3] =	sbarrier.arrive $0xFFFF  }
0x82: {  	_ =	shalt  }

// kernel: kernel.14.cloned.1.call-start
scs
__scs_entry_jumppad:
0x0: {  	(pc) =	sbr.rel $0x88, $3  }
0x1: {  	(tag) =	ssettag $0x0;
	lr =	simm.s32 $0x1  }
0x2: {  	[smem:$0x3F9B] =	sst lr;
	_ =	strace $0xD0000000  }
0x3: {  	_ = 	snop  }
0x4: {  	_ = 	snop  }
0x5: {  	_ = 	snop  }
0x6: {  	_ = 	snop  }
0x7: {  	_ = 	snop  }
__scs_overlays_trampoline_lowered:
0x8: {  	[smem:$0x3FAA] =	sst s0  }
0x9: {  	[smem:$0x3FAB] =	sst s1  }
0xa: {  	[smem:$0x3FAC] =	sst s2  }
0xb: {  	[smem:$0x3FAD] =	sst s3  }
0xc: {  	[smem:$0x3FAE] =	sst s4  }
0xd: {  	[smem:$0x3FAF] =	sst s5  }
0xe: {  	[smem:$0x3FB0] =	sst s6  }
0xf: {  	[smem:$0x3FB1] =	sst s7  }
0x10: {  	[smem:$0x3FB2] =	sst s8  }
0x11: {  	[smem:$0x3FB3] =	sst s9;
	s0 =	simm.s32 @!p0 $0x0  }
0x12: {  	s1 =	sld [smem:$0x3F99];
	s0 =	simm.s32 @p0 $0x1  }
0x13: {  	[smem:$0x3FB4] =	sst s0;
	s0 =	simm.s32 @!p1 $0x0  }
0x14: {  	s2 =	sld [smem:$0x3F98];
	s0 =	simm.s32 @p1 $0x1  }
0x15: {  	[smem:$0x3FB5] =	sst s0;
	s0 =	simm.s32 @!p2 $0x0  }
0x16: {  	s3 =	sld [smem:$0x3FDB];
	s0 =	simm.s32 @p2 $0x1  }
0x17: {  	s4 =	simm.s32 $0x1BF5;
	[smem:$0x3FB7] =	sst s0  }
0x18: {  	s0 =	sld [smem:$0x3F9A];
	_ =	swait.ge [sflag:s4], $0x0  }
0x19: {  	s7 =	sld [smem:$0x3F9B]  }
0x1a: {  	s8 =	sadd.s32 $0xFFFFE003, lr  }
0x1b: {  	s9 =	sadd.s32 $0xFFFFFEF7, lr;
	s5 =	simm.s32 $0xFFFFFFFF;
	p2 =	slt.u32 s8, $0xFFFFF086  }
0x1c: {  	p1 =	slt.u32 s9, $0xF7A;
	s5 =	simm.s32 @!p2 $0x0  }
0x1d: {  	s5 =	simm.s32 @p1 $0x1;
	p0 =	seq.s32 s7, s2  }
0x1e: {  	s7 =	smul.u32 @!p0 $0xF7A, s2;
	p2 =	seq.s32 @!p0 s5, $0x0  }
0x1f: {  	s9 =	smul.u32 $0xF7A, s1;
	s8 =	simm.s32 @!p0 $0x1BF5;
	p2 =	por !p2, p0  }
0x20: {  	[sflag:s8] =	ssyncset.s32 @!p0 $0xFFFFF086;
	s6 =	sadd.s32 @!p0 s3, s7;
	s7 =	simm.s32 @!p0 $0x108  }
0x21: {  	s3 =	sadd.s32 s3, s9;
	s6 =	sadd.s32 @!p0 $0x88, s6;
	s7 =	simm.s32 @p2 $0x1082  }
0x22: {  	[simem:s7], [sflag:s8] =	dma.local @!p0 [hbm:s6], $0xF7A  }
0x23: {  	s9 =	sor.u32 $0xD0000000, s2;
	s6 =	simm.s32 $0x108;
	_ =	swait.ge @!p0 [sflag:s8], $0x0  }
0x24: {  	s3 =	sadd.s32 $0x88, s3;
	s6 =	simm.s32 @!p1 $0x1082;
	[sflag:s4] =	ssyncset.s32 $0xFFFFF086  }
0x25: {  	[simem:s6], [sflag:s4] =	dma.local [hbm:s3], $0xF7A  }
0x26: {  	[smem:$0x3F9B] =	sst s1;
	(tag) =	ssettag s2;
	_ =	strace s9  }
0x27: {  	s1 =	sld [smem:$0x3FAB]  }
0x28: {  	s2 =	sld [smem:$0x3FAC]  }
0x29: {  	s4 =	sld [smem:$0x3FAE]  }
0x2a: {  	p0 =	seq.s32 s5, $0x0;
	s5 =	sld [smem:$0x3FAF]  }
0x2b: {  	s6 =	sld [smem:$0x3FB0]  }
0x2c: {  	s7 =	sld [smem:$0x3FB1]  }
0x2d: {  	s3 =	simm.s32 $0x108;
	s8 =	sld [smem:$0x3FB2]  }
0x2e: {  	s3 =	simm.s32 @!p0 $0x1082;
	s9 =	sld [smem:$0x3FB3]  }
0x2f: {  	lr =	sadd.s32 s0, s3;
	s0 =	sld [smem:$0x3FAA]  }
0x30: {  	s3 =	sld [smem:$0x3FAD]  }
0x31: {  	[smem:$0x3FB6] =	sst s10  }
0x32: {  	s10 =	sld [smem:$0x3FB4];
	_ =	sdelay $0x3  }
0x33: {  	p0 =	seq.s32 s10, $0x1;
	s10 =	sld [smem:$0x3FB6];
	_ =	sdelay $0x3  }
0x34: {  	[smem:$0x3FB6] =	sst s10  }
0x35: {  	s10 =	sld [smem:$0x3FB5];
	_ =	sdelay $0x3  }
0x36: {  	p1 =	seq.s32 s10, $0x1;
	s10 =	sld [smem:$0x3FB6];
	_ =	sdelay $0x3  }
0x37: {  	[smem:$0x3FB6] =	sst s10  }
0x38: {  	s10 =	sld [smem:$0x3FB7]  }
0x39: {  	_ = 	snop;
	(pc) =	sbr.ind lr, $3  }
0x3a: {  	_ = 	snop  }
0x3b: {  	_ = 	snop  }
0x3c: {  	p2 =	seq.s32 s10, $0x1;
	s10 =	sld [smem:$0x3FB6]  }
0x3d: {  	_ =	shalt  }
0x3e: {  	_ =	shalt  }
0x3f: {  	_ =	shalt  }
0x40: {  	_ =	shalt  }
0x41: {  	_ =	shalt  }
0x42: {  	_ =	shalt  }
0x43: {  	_ =	shalt  }
0x44: {  	_ =	shalt  }
0x45: {  	_ =	shalt  }
0x46: {  	_ =	shalt  }
0x47: {  	_ =	shalt  }
0x48: {  	_ =	shalt  }
0x49: {  	_ =	shalt  }
0x4a: {  	_ =	shalt  }
0x4b: {  	_ =	shalt  }
0x4c: {  	_ =	shalt  }
0x4d: {  	_ =	shalt  }
0x4e: {  	_ =	shalt  }
0x4f: {  	_ =	shalt  }
0x50: {  	_ =	shalt  }
0x51: {  	_ =	shalt  }
0x52: {  	_ =	shalt  }
0x53: {  	_ =	shalt  }
0x54: {  	_ =	shalt  }
0x55: {  	_ =	shalt  }
0x56: {  	_ =	shalt  }
0x57: {  	_ =	shalt  }
0x58: {  	_ =	shalt  }
0x59: {  	_ =	shalt  }
0x5a: {  	_ =	shalt  }
0x5b: {  	_ =	shalt  }
0x5c: {  	_ =	shalt  }
0x5d: {  	_ =	shalt  }
0x5e: {  	_ =	shalt  }
0x5f: {  	_ =	shalt  }
0x60: {  	_ =	shalt  }
0x61: {  	_ =	shalt  }
0x62: {  	_ =	shalt  }
0x63: {  	_ =	shalt  }
0x64: {  	_ =	shalt  }
0x65: {  	_ =	shalt  }
0x66: {  	_ =	shalt  }
0x67: {  	_ =	shalt  }
0x68: {  	_ =	shalt  }
0x69: {  	_ =	shalt  }
0x6a: {  	_ =	shalt  }
0x6b: {  	_ =	shalt  }
0x6c: {  	_ =	shalt  }
0x6d: {  	_ =	shalt  }
0x6e: {  	_ =	shalt  }
0x6f: {  	_ =	shalt  }
0x70: {  	_ =	shalt  }
0x71: {  	_ =	shalt  }
0x72: {  	_ =	shalt  }
0x73: {  	_ =	shalt  }
0x74: {  	_ =	shalt  }
0x75: {  	_ =	shalt  }
0x76: {  	_ =	shalt  }
0x77: {  	_ =	shalt  }
0x78: {  	_ =	shalt  }
0x79: {  	_ =	shalt  }
0x7a: {  	_ =	shalt  }
0x7b: {  	_ =	shalt  }
0x7c: {  	_ =	shalt  }
0x7d: {  	_ =	shalt  }
0x7e: {  	_ =	shalt  }
0x7f: {  	_ =	shalt  }
0x80: {  	_ =	shalt  }
0x81: {  	_ =	shalt  }
0x82: {  	_ =	shalt  }
0x83: {  	_ =	shalt  }
0x84: {  	_ =	shalt  }
0x85: {  	_ =	shalt  }
0x86: {  	_ =	shalt  }
0x87: {  	_ =	shalt  }
.Lfunc_end0:
.L_simem_size_0:
called_computation.2_lowered:
.L_overlay_start_0:
0x88: {  	s2 =	sld [smem:$0x3FD9]  }
0x89: {  	s3 =	sld [smem:$0x3FFE];
	_ =	sdelay $0x1  }
0x8a: {  	s1 =	srdreg.scid  }
0x8b: {  	s0 =	sand.u32 $0x1, s1  }
0x8c: {  	s17 =	sshll.u32 s0, $0xA;
	s2 =	sadd.s32 s3, s2  }
0x8d: {  	s2 =	sadd.s32 s2, s17  }
0x8e: {  	[smem:$0x3FC2] =	sst s2  }
0x8f: {  	_ = 	snop  }
0x90: {  	s2 =	sld [smem:$0x3FD0];
	(tm) =	ssettm $0x1  }
0x91: {  	s18 =	sld [smem:$0x3FFB];
	_ =	sdelay $0x3  }
0x92: {  	_ =	strace s18  }
0x93: {  	s3 =	sld [smem:$0x3FFC];
	_ =	sdelay $0x3  }
0x94: {  	_ =	strace s3  }
0x95: {  	s3 =	sld [smem:$0x3FFD];
	_ =	sdelay $0x3  }
0x96: {  	_ =	strace s3  }
0x97: {  	_ =	strace $0x8FFFFFFF  }
0x98: {  	s19 =	sld [smem:$0x3FDB];
	_ =	sdelay $0x1  }
0x99: {  	s4 =	simm.s32 $_scs_section_size  }
0x9a: {  	s5 =	simm.s32 $_size__tile_overlayer_lowered;
	s6 =	simm.s32 $_tile_overlayer_lowered  }
0x9b: {  	s22 =	simm.s32 $0x1BFF;
	s21 =	sshll.u32 s6, $0x1;
	s3 =	sadd.s32 s4, s19  }
0x9c: {  	s7 =	simm.s32 $0x0;
	s20 =	sshll.u32 s5, $0x1;
	s5 =	sadd.s32 s21, s3  }
0x9d: {  	[timem:s7], [sflag:s22] =	dma.local [hbm:s5], s20  }
0x9e: {  	_ =	swait.ge [sflag:s22], s20  }
0x9f: {  	s4 =	ssub.s32 $0x0, s20;
	[sflag:s22] =	ssyncset.done $0x0  }
0xa0: {  	[sflag:s22] =	ssyncadd.s32 s4;
	_ =	sdelay $0x1  }
0xa1: {  	s23 =	simm.s32 $0x1B8B  }
0xa2: {  	_ =	swait.ge [sflag:s23], $0x1  }
0xa3: {  	[sflag:s23] =	ssyncset.done $0x0  }
0xa4: {  	s25 =	simm.s32 $0x1B8E;
	s24 =	sld [smem:$0x3FFE];
	[sflag:s23] =	ssyncadd.s32 $0xFFFFFFFF  }
0xa5: {  	s26 =	simm.s32 $execute0_lowered;
	[smem:$0x3FD2] =	sst s25  }
0xa6: {  	s5 =	sshll.u32 s26, $0x1;
	_ =	strace $0x8000004C;
	[dreg:$0x1] =	wrdreg $0xFFFFFFFF  }
0xa7: {  	s28 =	simm.s32 $_size_execute0_lowered;
	s3 =	sadd.s32 s3, s5;
	[dreg:$0x0] =	wrdreg $0x0  }
0xa8: {  	s5 =	sshll.u32 s28, $0x1;
	[dreg:$0x2] =	wrdreg s3  }
0xa9: {  	[dreg:$0x3] =	wrdreg s5  }
0xaa: {  	[dreg:$0x4] =	wrdreg $0xC0  }
0xab: {  	_ =	task [dreg:s7], $0x5FFFF  }
0xac: {  	[dreg:$0x1] =	wrdreg $0xFFFFFFFF  }
0xad: {  	[dreg:$0x0] =	wrdreg $0x60  }
0xae: {  	[dreg:$0x2] =	wrdreg s24  }
0xaf: {  	[dreg:$0x3] =	wrdreg s2  }
0xb0: {  	[dreg:$0x4] =	wrdreg $0x86000  }
0xb1: {  	[dreg:$0x5] =	wrdreg $0x9  }
0xb2: {  	_ =	task.clear_ibuf [dreg:s7], $0x6FFFF;
	_ =	strace $0x9000004C  }
0xb3: {  	s29 =	simm.s32 $0x9;
	_ =	strace $0x8000004E  }
0xb4: {  	_ =	swait.ge [sflag:s29], $0x1  }
0xb5: {  	[sflag:s29] =	ssyncadd.s32 $0xFFFFFFFF  }
0xb6: {  	_ =	strace $0x9000004E  }
0xb7: {  	_ =	sfence  }
0xb8: {  	s30 =	sld [smem:$0x0];
	_ =	sdelay $0x2  }
0xb9: {  	s31 =	sshll.u32 s1, $0xD;
	s1 =	sshrl.u32 s1, $0x2  }
0xba: {  	s3 =	sand.u32 $0x4000, s31;
	s1 =	sadd.s32 s1, s30  }
0xbb: {  	s0 =	sor.u32 s3, s0;
	s1 =	sshll.u32 s1, $0x11  }
0xbc: {  	s0 =	sor.u32 s1, s0  }
0xbd: {  	s0 =	sadd.s32 $0x8F2B, s0  }
0xbe: {  	[sflag:s0] =	ssyncadd.remote.s32 $0x1  }
0xbf: {  	_ =	sfence.sel $0xFFFF  }
0xc0: {  	[dreg:$0x0] =	wrdreg $0xFFFFFFFF;
	(pc) =	sbr.abs _section_cstart, $3  }
0xc1: {  	[dreg:$0x1] =	wrdreg $0xFFFFFFFF  }
0xc2: {  	_ =	task.clear_ibuf [dreg:s7], $0x2FFFF;
	_ =	strace $0x9FFFFFFF  }
0xc3: {  	(tm) =	ssettm $0x7FFFFFFF  }
tec
execute0_lowered:
.L_overlay_start_1:
0x0: {  	(tag) =	ssettag $0x1  }
0x1: {  	s0 =	rddreg [dreg:$0x0]  }
0x2: {  	s1 =	rddreg [dreg:$0x1]  }
0x3: {  	s2 =	rddreg [dreg:$0x2];
	s11 =	stileid.u32;
	s3 =	simm.s32 $0x0  }
0x4: {  	s4 =	srdreg.scid;
	s16 =	simm.s32 $0x3;
	s18 =	simm.s32 $0x6600  }
0x5: {  	s19 =	simm.s32 $0x80;
	s20 =	simm.s32 $0x7600;
	s5 =	smul.u32 $0x3A, s11  }
0x6: {  	s21 =	simm.s32 $0x1;
	s6 =	sand.u32 $0x1, s4;
	s4 =	smul.u32 $0x66, s11  }
0x7: {  	s22 =	simm.s32 $0x2;
	s23 =	simm.s32 $0x0;
	s7 =	smul.u32 $0xA000, s11  }
0x8: {  	[smem:$0x7FF] =	sst s3;
	s26 =	smul.u32 $0x14000, s11;
	p0 =	seq.s32 s6, $0x0  }
0x9: {  	s8 =	smul.u32 $0xA0000, s6;
	_ =	strace $0x8000004D;
	s6 =	ssub.s32 $0x2, s6  }
0xa: {  	s5 =	sadd.s32 $0x660, s5;
	s28 =	sshrl.u32 s6, $0x1;
	s30 =	sshrl.u32 s7, $0x1  }
0xb: {  	s5 =	smov.u32 @p0 s4;
	s4 =	sadd.s32 $0x1E00, s0;
	s25 =	sadd.s32 s7, s8  }
0xc: {  	s14 =	ssub.s32 s6, s28;
	s8 =	sshrl.u32 s26, $0x2;
	s9 =	sshll.u32 s5, $0x4  }
0xd: {  	s5 =	sshrl.u32 s25, $0x4;
	s12 =	sadd.s32 s8, s2;
	s8 =	sadd.s32 s30, s2  }
0xe: {  	s14 =	smax.u32 s14, $0x1;
	s10 =	sadd.s32 s9, s0;
	s0 =	sadd.s32 s5, s0  }
0xf: {  	s5 =	simm.s32 $0x66;
	s7 =	sadd.s32 s1, s9;
	s9 =	sadd.s32 $0x1000, s12  }
0x10: {  	s11 =	sadd.s32 $0x3000, s12;
	s5 =	simm.s32 @!p0 $0x3A;
	s29 =	sadd.s32 $0xBE00, s10  }
0x11: {  	s10 =	sadd.s32 $0x2000, s12;
	s12 =	sadd.s32 $0x4000, s12;
	s31 =	sshrl.u32 s5, $0x1  }
0x12: {  	v0 =	vimm.bf16 $0.0e+00;
	s13 =	sadd.s32 $0x16200, s0;
	[dreg:$0x4] =	wrdreg s29;
	s15 =	sadd.s32 $0xFFFFFFFF, s31  }
.LBB2_1:
0x13: {  	s0 =	rddreg [dreg:$0x4]  }
0x14: {  	[tilespmem:s3], [sflag:$0x3] =	stream.linear.gather [hbm4b:s0+s3], $0x3300, $0x38;
	[tilespmem:$0xD600] =	vst v63  }
0x15: {  	_ =	swait.ge [sflag:s16], $0x3300  }
0x16: {  	[sflag:s16] =	ssyncset.done $0x0  }
0x17: {  	s31 =	simm.s32 $0x3300;
	[sflag:s16] =	ssyncadd.s32 $0xFFFFCD00  }
0x18: {  	[tilespmem:s31], [sflag:$0x3] =	stream.linear.gather [hbm4b:s7+s3], $0x3300, $0x38;
	[tilespmem:$0xD600] =	vst v63  }
0x19: {  	_ =	swait.ge [sflag:s16], $0x3300  }
0x1a: {  	[sflag:s16] =	ssyncset.done $0x0  }
0x1b: {  	s24 =	simm.s32 $0x0;
	s25 =	simm.s32 $0x100;
	[sflag:s16] =	ssyncadd.s32 $0xFFFFCD00  }
.LBB2_2:
0x1c: {  	p0 =	sne.s32 s25, $0x3F00;
	[tilespmem:s24+$0x6638] =	vst.msk $0xff, v0  }
0x1d: {  	[tilespmem:s24+$0x6600] =	vst.msk $0xff, v0  }
0x1e: {  	[tilespmem:s24+$0x6620] =	vst.msk $0xff, v0  }
.Ltmp0:
0x1f: {  	[tilespmem:s24+$0x6608] =	vst.msk $0xff, v0;
	(pc) =	sbr.rel @p0 .LBB2_2-.Ltmp0, $4  }
0x20: {  	[tilespmem:s24+$0x6628] =	vst.msk $0xff, v0  }
0x21: {  	[tilespmem:s24+$0x6610] =	vst.msk $0xff, v0  }
0x22: {  	[tilespmem:s24+$0x6630] =	vst.msk $0xff, v0  }
0x23: {  	[tilespmem:s24+$0x6618] =	vst.msk $0xff, v0;
	s24 =	sshra.s32 s25, $0x2;
	s25 =	sadd.s32 $0x100, s25  }
0x24: {  	[tilespmem:s24+$0x6638] =	vst.msk $0xff, v0  }
0x25: {  	[tilespmem:s24+$0x6600] =	vst.msk $0xff, v0  }
0x26: {  	[tilespmem:s24+$0x6620] =	vst.msk $0xff, v0  }
0x27: {  	[tilespmem:s24+$0x6608] =	vst.msk $0xff, v0  }
0x28: {  	[tilespmem:s24+$0x6628] =	vst.msk $0xff, v0  }
0x29: {  	[tilespmem:s24+$0x6610] =	vst.msk $0xff, v0  }
0x2a: {  	[tilespmem:s24+$0x6630] =	vst.msk $0xff, v0  }
0x2b: {  	[tilespmem:s24+$0x6618] =	vst.msk $0xff, v0;
	s0 =	simm.s32 $0x3  }
0x2c: {  	[spmem:s8] =	stream.linear.scatter [tilespmem:s18], [sflag:$0x3], $0x1000, $0x38;
	[tilespmem:$0xD600] =	vst v63  }
0x2d: {  	_ =	swait.ge [sflag:s0], $0x1000  }
0x2e: {  	[sflag:s0] =	ssyncset.done $0x0  }
0x2f: {  	[sflag:s0] =	ssyncadd.s32 $0xFFFFF000  }
0x30: {  	[spmem:s9] =	stream.linear.scatter [tilespmem:s18], [sflag:$0x3], $0x1000, $0x38;
	[tilespmem:$0xD600] =	vst v63  }
0x31: {  	_ =	swait.ge [sflag:s0], $0x1000  }
0x32: {  	[sflag:s0] =	ssyncset.done $0x0  }
0x33: {  	[sflag:s0] =	ssyncadd.s32 $0xFFFFF000  }
0x34: {  	[spmem:s10] =	stream.linear.scatter [tilespmem:s18], [sflag:$0x3], $0x1000, $0x38;
	[tilespmem:$0xD600] =	vst v63  }
0x35: {  	_ =	swait.ge [sflag:s0], $0x1000  }
0x36: {  	[sflag:s0] =	ssyncset.done $0x0  }
0x37: {  	[sflag:s0] =	ssyncadd.s32 $0xFFFFF000  }
0x38: {  	[spmem:s11] =	stream.linear.scatter [tilespmem:s18], [sflag:$0x3], $0x1000, $0x38;
	[tilespmem:$0xD600] =	vst v63  }
0x39: {  	_ =	swait.ge [sflag:s0], $0x1000  }
0x3a: {  	[sflag:s0] =	ssyncset.done $0x0  }
0x3b: {  	[sflag:s0] =	ssyncadd.s32 $0xFFFFF000  }
0x3c: {  	[spmem:s12] =	stream.linear.scatter [tilespmem:s18], [sflag:$0x3], $0x1000, $0x38;
	[tilespmem:$0xD600] =	vst v63  }
0x3d: {  	_ =	swait.ge [sflag:s0], $0x1000  }
0x3e: {  	[sflag:s0] =	ssyncset.done $0x0  }
0x3f: {  	[sflag:s0] =	ssyncadd.s32 $0xFFFFF000  }
0x40: {  	[bflag:$0x0] =	sbarrier.arrive $0xFFFF  }
0x41: {  	[tilespmem:s18], [sflag:$0x1] =	stream.indirect.gather [hbm4b:s4+s19], $0x20, s3, s19, $0xb8;
	[tilespmem:$0xD600] =	vst v63  }
0x42: {  	_ = 	snop  }
0x43: {  	[tilespmem:s20], [sflag:$0x2] =	stream.indirect.gather [hbm4b:s4+s19], $0x20, s19, s19, $0xb8;
	[tilespmem:$0xD600] =	vst v63  }
0x44: {  	_ =	swait.ge [sflag:s21], $0x1000  }
0x45: {  	[sflag:s21] =	ssyncset.done $0x0  }
0x46: {  	s26 =	simm.s32 $0x3300;
	[sflag:s21] =	ssyncadd.s32 $0xFFFFF000  }
0x47: {  	[spmem:s2] =	stream.indirect.scatter.add.bf16 [tilespmem:s18], [sflag:$0x3], $0x20, s26, s19, $0xb8;
	[tilespmem:$0xD600] =	vst v63  }
0x48: {  	p0 =	sle.u32 s5, $0x2;
	s29 =	sadd.s32 $0xFFFFFFFF, s15;
	_ =	swait.ge [sflag:s16], $0x1000  }
0x49: {  	s28 =	simm.s32 $0x3380;
	s1 =	simm.s32 @!p0 $0x80;
	[sflag:s16] =	ssyncset.done $0x0  }
0x4a: {  	s24 =	simm.s32 @!p0 $0x6600;
	s0 =	simm.s32 @!p0 $0x100;
	[sflag:s16] =	ssyncadd.s32 $0xFFFFF000  }
0x4b: {  	[tilespmem:s24], [sflag:$0x1] =	stream.indirect.gather @!p0 [hbm4b:s4+s1], $0x20, s0, s1, $0xb8;
	[tilespmem:$0xD600] =	vst v63  }
0x4c: {  	p1 =	sle.u32 s5, $0x3;
	p0 =	sne.s32 s29, $0x0;
	_ =	swait.ge [sflag:s22], $0x1000  }
.Ltmp1:
0x4d: {  	s25 =	simm.s32 $0x5;
	[sflag:s22] =	ssyncset.done $0x0;
	(pc) =	sbr.rel @!p0 .LBB2_5-.Ltmp1, $4  }
0x4e: {  	s31 =	simm.s32 $0x180;
	s30 =	simm.s32 $0x180;
	[sflag:s22] =	ssyncadd.s32 $0xFFFFF000  }
0x4f: {  	[spmem:s2] =	stream.indirect.scatter.add.bf16 [tilespmem:s20], [sflag:$0x3], $0x20, s28, s19, $0xb8;
	[tilespmem:$0xD600] =	vst v63  }
0x50: {  	s26 =	simm.s32 $0x3480;
	s24 =	simm.s32 $0x180;
	_ =	swait.ge [sflag:s16], $0x1000  }
0x51: {  	s0 =	simm.s32 @!p1 $0x80;
	s1 =	simm.s32 @!p1 $0x7600;
	[sflag:s16] =	ssyncset.done $0x0  }
.LBB2_4:
0x52: {  	s30 =	smov.u32 s24;
	s28 =	smov.u32 s26  }
0x53: {  	s29 =	sadd.s32 $0xFFFFFFFF, s29;
	s24 =	sadd.s32 $0x100, s24;
	[sflag:s16] =	ssyncadd.s32 $0xFFFFF000  }
0x54: {  	[tilespmem:s1], [sflag:$0x2] =	stream.indirect.gather @!p1 [hbm4b:s4+s0], $0x20, s31, s0, $0xb8;
	[tilespmem:$0xD600] =	vst v63  }
0x55: {  	p0 =	sne.s32 s29, $0x0;
	s31 =	smov.u32 s24;
	_ =	swait.ge [sflag:s21], $0x1000  }
0x56: {  	s0 =	sadd.s32 $0xFFFFFF80, s26;
	s1 =	smov.u32 s26;
	[sflag:s21] =	ssyncset.done $0x0  }
0x57: {  	s17 =	sadd.s32 $0xFFFFFFFF, s25;
	[sflag:s21] =	ssyncadd.s32 $0xFFFFF000  }
0x58: {  	[spmem:s2] =	stream.indirect.scatter.add.bf16 [tilespmem:s18], [sflag:$0x3], $0x20, s0, s19, $0xb8;
	[tilespmem:$0xD600] =	vst v63  }
0x59: {  	p1 =	sge.u32 s17, s5;
	_ =	swait.ge [sflag:s16], $0x1000  }
0x5a: {  	s17 =	simm.s32 @!p1 $0x80;
	s0 =	sadd.s32 @!p1 $0xFFFFFF80, s24;
	[sflag:s16] =	ssyncset.done $0x0  }
0x5b: {  	s6 =	simm.s32 @!p1 $0x6600;
	[sflag:s16] =	ssyncadd.s32 $0xFFFFF000  }
0x5c: {  	[tilespmem:s6], [sflag:$0x1] =	stream.indirect.gather @!p1 [hbm4b:s4+s17], $0x20, s0, s17, $0xb8;
	[tilespmem:$0xD600] =	vst v63  }
0x5d: {  	_ =	swait.ge [sflag:s22], $0x1000  }
.Ltmp2:
0x5e: {  	[sflag:s22] =	ssyncset.done $0x0;
	(pc) =	sbr.rel @p0 .LBB2_4-.Ltmp2, $4  }
0x5f: {  	s26 =	sadd.s32 $0x100, s26;
	[sflag:s22] =	ssyncadd.s32 $0xFFFFF000  }
0x60: {  	[spmem:s2] =	stream.indirect.scatter.add.bf16 [tilespmem:s20], [sflag:$0x3], $0x20, s1, s19, $0xb8;
	[tilespmem:$0xD600] =	vst v63  }
0x61: {  	p1 =	sge.u32 s25, s5;
	s25 =	sadd.s32 $0x2, s25;
	_ =	swait.ge [sflag:s16], $0x1000  }
0x62: {  	s0 =	simm.s32 @!p1 $0x80;
	s1 =	simm.s32 @!p1 $0x7600;
	[sflag:s16] =	ssyncset.done $0x0  }
.LBB2_5:
0x63: {  	[sflag:s16] =	ssyncadd.s32 $0xFFFFF000  }
0x64: {  	[tilespmem:s1], [sflag:$0x2] =	stream.indirect.gather @!p1 [hbm4b:s4+s0], $0x20, s31, s0, $0xb8;
	[tilespmem:$0xD600] =	vst v63  }
0x65: {  	_ =	swait.ge [sflag:s21], $0x1000  }
0x66: {  	[sflag:s21] =	ssyncset.done $0x0  }
0x67: {  	s28 =	sadd.s32 $0x80, s28;
	s29 =	sadd.s32 $0xFFFFFFFF, s25;
	[sflag:s21] =	ssyncadd.s32 $0xFFFFF000  }
0x68: {  	[spmem:s2] =	stream.indirect.scatter.add.bf16 [tilespmem:s18], [sflag:$0x3], $0x20, s28, s19, $0xb8;
	[tilespmem:$0xD600] =	vst v63  }
0x69: {  	p0 =	sge.u32 s29, s5;
	_ =	swait.ge [sflag:s16], $0x1000  }
0x6a: {  	s0 =	sadd.s32 @!p0 $0x80, s30;
	[sflag:s16] =	ssyncset.done $0x0  }
0x6b: {  	s1 =	simm.s32 @!p0 $0x80;
	s6 =	simm.s32 @!p0 $0x6600;
	[sflag:s16] =	ssyncadd.s32 $0xFFFFF000  }
0x6c: {  	[tilespmem:s6], [sflag:$0x1] =	stream.indirect.gather @!p0 [hbm4b:s4+s1], $0x20, s0, s1, $0xb8;
	[tilespmem:$0xD600] =	vst v63  }
0x6d: {  	_ =	swait.ge [sflag:s22], $0x1000  }
0x6e: {  	[sflag:s22] =	ssyncset.done $0x0  }
0x6f: {  	[sflag:s22] =	ssyncadd.s32 $0xFFFFF000  }
0x70: {  	[spmem:s2] =	stream.indirect.scatter.add.bf16 [tilespmem:s20], [sflag:$0x3], $0x20, s26, s19, $0xb8;
	[tilespmem:$0xD600] =	vst v63  }
0x71: {  	s23 =	sadd.s32 $0x1, s23;
	s30 =	stileid.u32;
	_ =	swait.ge [sflag:s16], $0x1000  }
0x72: {  	s0 =	sadd.s32 $0x100, s24;
	p0 =	sge.u32 s25, s5;
	[sflag:s16] =	ssyncset.done $0x0  }
0x73: {  	s1 =	simm.s32 @!p0 $0x80;
	s6 =	simm.s32 @!p0 $0x7600;
	[sflag:s16] =	ssyncadd.s32 $0xFFFFF000  }
0x74: {  	[tilespmem:s6], [sflag:$0x2] =	stream.indirect.gather @!p0 [hbm4b:s4+s1], $0x20, s0, s1, $0xb8;
	[tilespmem:$0xD600] =	vst v63  }
0x75: {  	s31 =	sshrl.u32 s8, $0x3;
	s0 =	sshll.u32 s30, $0x6;
	p0 =	sne.s32 s23, s14  }
.Ltmp3:
0x76: {  	[bflag:$0x0] =	sbarrier.arrive $0xFFFF;
	s0 =	sor.u32 $0x1C03, s0;
	(pc) =	sbr.rel @p0 .LBB2_1-.Ltmp3, $4  }
0x77: {  	[hbm:s13], [sflag:s0] =	dma.local [spmem:s31], $0xA00  }
0x78: {  	_ =	swait.ge [sflag:s16], $0xA00  }
0x79: {  	[sflag:s16] =	ssyncset.done $0x0  }
0x7a: {  	[sflag:s16] =	ssyncadd.s32 $0xFFFFF600  }
0x7b: {  	_ =	sfence.sel $0x180000  }
0x7c: {  	[bflag:$0x0] =	sbarrier.arrive $0xFFFF  }
0x7d: {  	_ =	strace $0x9000004D  }
0x7e: {  	s0 =	stileid.u32;
	[bflag:$0x2] =	sbarrier.arrive $0xFFFF  }
0x7f: {  	p0 =	sne.s32 s0, $0x0;
	s0 =	rddreg [dreg:$0x3]  }
0x80: {  	s0 =	sadd.s32 @!p0 $0x100000, s0  }
0x81: {  	[sflag:s0] =	ssyncadd.tile.s32 @!p0 $0x1;
	_ =	shalt  }
.Lfunc_end2:
_tile_overlayer_lowered:
.L_overlay_start_2:
0x82: {  	(tag) =	ssettag $0x2  }
0x83: {  	s0 =	rddreg [dreg:$0x0];
	s2 =	stileid.u32  }
0x84: {  	s1 =	rddreg [dreg:$0x1];
	p0 =	sne.s32 s2, $0x0  }
0x85: {  	s3 =	rddreg [dreg:$0x2];
	[bflag:$0x3] =	sbarrier.arrive $0xFFFF;
	s2 =	simm.s32 @!p0 $0x1C03  }
0x86: {  	[timem:s3], [sflag:s2] =	dma.local @!p0 [hbm:s0], s1  }
0x87: {  	s0 =	simm.s32 @!p0 $0x3  }
0x88: {  	_ =	swait.ge @!p0 [sflag:s0], s1  }
0x89: {  	s1 =	ssub.s32 @!p0 $0x0, s1;
	[sflag:s0] =	ssyncset.done @!p0 $0x0  }
0x8a: {  	[sflag:s0] =	ssyncadd.s32 @!p0 s1  }
0x8b: {  	[bflag:$0x3] =	sbarrier.arrive $0xFFFF  }
0x8c: {  	_ =	shalt  }

// kernel: kernel.8.cloned.1.call-start
scs
__scs_entry_jumppad:
0x0: {  	(pc) =	sbr.rel $0x88, $3  }
0x1: {  	(tag) =	ssettag $0x0;
	lr =	simm.s32 $0x1  }
0x2: {  	[smem:$0x3F9B] =	sst lr;
	_ =	strace $0xD0000000  }
0x3: {  	_ = 	snop  }
0x4: {  	_ = 	snop  }
0x5: {  	_ = 	snop  }
0x6: {  	_ = 	snop  }
0x7: {  	_ = 	snop  }
__scs_overlays_trampoline_lowered:
0x8: {  	[smem:$0x3FAA] =	sst s0  }
0x9: {  	[smem:$0x3FAB] =	sst s1  }
0xa: {  	[smem:$0x3FAC] =	sst s2  }
0xb: {  	[smem:$0x3FAD] =	sst s3  }
0xc: {  	[smem:$0x3FAE] =	sst s4  }
0xd: {  	[smem:$0x3FAF] =	sst s5  }
0xe: {  	[smem:$0x3FB0] =	sst s6  }
0xf: {  	[smem:$0x3FB1] =	sst s7  }
0x10: {  	[smem:$0x3FB2] =	sst s8  }
0x11: {  	[smem:$0x3FB3] =	sst s9;
	s0 =	simm.s32 @!p0 $0x0  }
0x12: {  	s1 =	sld [smem:$0x3F99];
	s0 =	simm.s32 @p0 $0x1  }
0x13: {  	[smem:$0x3FB4] =	sst s0;
	s0 =	simm.s32 @!p1 $0x0  }
0x14: {  	s2 =	sld [smem:$0x3F98];
	s0 =	simm.s32 @p1 $0x1  }
0x15: {  	[smem:$0x3FB5] =	sst s0;
	s0 =	simm.s32 @!p2 $0x0  }
0x16: {  	s3 =	sld [smem:$0x3FDB];
	s0 =	simm.s32 @p2 $0x1  }
0x17: {  	s4 =	simm.s32 $0x1BF5;
	[smem:$0x3FB7] =	sst s0  }
0x18: {  	s0 =	sld [smem:$0x3F9A];
	_ =	swait.ge [sflag:s4], $0x0  }
0x19: {  	s7 =	sld [smem:$0x3F9B]  }
0x1a: {  	s8 =	sadd.s32 $0xFFFFE003, lr  }
0x1b: {  	s9 =	sadd.s32 $0xFFFFFEF7, lr;
	s5 =	simm.s32 $0xFFFFFFFF;
	p2 =	slt.u32 s8, $0xFFFFF086  }
0x1c: {  	p1 =	slt.u32 s9, $0xF7A;
	s5 =	simm.s32 @!p2 $0x0  }
0x1d: {  	s5 =	simm.s32 @p1 $0x1;
	p0 =	seq.s32 s7, s2  }
0x1e: {  	s7 =	smul.u32 @!p0 $0xF7A, s2;
	p2 =	seq.s32 @!p0 s5, $0x0  }
0x1f: {  	s9 =	smul.u32 $0xF7A, s1;
	s8 =	simm.s32 @!p0 $0x1BF5;
	p2 =	por !p2, p0  }
0x20: {  	[sflag:s8] =	ssyncset.s32 @!p0 $0xFFFFF086;
	s6 =	sadd.s32 @!p0 s3, s7;
	s7 =	simm.s32 @!p0 $0x108  }
0x21: {  	s3 =	sadd.s32 s3, s9;
	s6 =	sadd.s32 @!p0 $0x88, s6;
	s7 =	simm.s32 @p2 $0x1082  }
0x22: {  	[simem:s7], [sflag:s8] =	dma.local @!p0 [hbm:s6], $0xF7A  }
0x23: {  	s9 =	sor.u32 $0xD0000000, s2;
	s6 =	simm.s32 $0x108;
	_ =	swait.ge @!p0 [sflag:s8], $0x0  }
0x24: {  	s3 =	sadd.s32 $0x88, s3;
	s6 =	simm.s32 @!p1 $0x1082;
	[sflag:s4] =	ssyncset.s32 $0xFFFFF086  }
0x25: {  	[simem:s6], [sflag:s4] =	dma.local [hbm:s3], $0xF7A  }
0x26: {  	[smem:$0x3F9B] =	sst s1;
	(tag) =	ssettag s2;
	_ =	strace s9  }
0x27: {  	s1 =	sld [smem:$0x3FAB]  }
0x28: {  	s2 =	sld [smem:$0x3FAC]  }
0x29: {  	s4 =	sld [smem:$0x3FAE]  }
0x2a: {  	p0 =	seq.s32 s5, $0x0;
	s5 =	sld [smem:$0x3FAF]  }
0x2b: {  	s6 =	sld [smem:$0x3FB0]  }
0x2c: {  	s7 =	sld [smem:$0x3FB1]  }
0x2d: {  	s3 =	simm.s32 $0x108;
	s8 =	sld [smem:$0x3FB2]  }
0x2e: {  	s3 =	simm.s32 @!p0 $0x1082;
	s9 =	sld [smem:$0x3FB3]  }
0x2f: {  	lr =	sadd.s32 s0, s3;
	s0 =	sld [smem:$0x3FAA]  }
0x30: {  	s3 =	sld [smem:$0x3FAD]  }
0x31: {  	[smem:$0x3FB6] =	sst s10  }
0x32: {  	s10 =	sld [smem:$0x3FB4];
	_ =	sdelay $0x3  }
0x33: {  	p0 =	seq.s32 s10, $0x1;
	s10 =	sld [smem:$0x3FB6];
	_ =	sdelay $0x3  }
0x34: {  	[smem:$0x3FB6] =	sst s10  }
0x35: {  	s10 =	sld [smem:$0x3FB5];
	_ =	sdelay $0x3  }
0x36: {  	p1 =	seq.s32 s10, $0x1;
	s10 =	sld [smem:$0x3FB6];
	_ =	sdelay $0x3  }
0x37: {  	[smem:$0x3FB6] =	sst s10  }
0x38: {  	s10 =	sld [smem:$0x3FB7]  }
0x39: {  	_ = 	snop;
	(pc) =	sbr.ind lr, $3  }
0x3a: {  	_ = 	snop  }
0x3b: {  	_ = 	snop  }
0x3c: {  	p2 =	seq.s32 s10, $0x1;
	s10 =	sld [smem:$0x3FB6]  }
0x3d: {  	_ =	shalt  }
0x3e: {  	_ =	shalt  }
0x3f: {  	_ =	shalt  }
0x40: {  	_ =	shalt  }
0x41: {  	_ =	shalt  }
0x42: {  	_ =	shalt  }
0x43: {  	_ =	shalt  }
0x44: {  	_ =	shalt  }
0x45: {  	_ =	shalt  }
0x46: {  	_ =	shalt  }
0x47: {  	_ =	shalt  }
0x48: {  	_ =	shalt  }
0x49: {  	_ =	shalt  }
0x4a: {  	_ =	shalt  }
0x4b: {  	_ =	shalt  }
0x4c: {  	_ =	shalt  }
0x4d: {  	_ =	shalt  }
0x4e: {  	_ =	shalt  }
0x4f: {  	_ =	shalt  }
0x50: {  	_ =	shalt  }
0x51: {  	_ =	shalt  }
0x52: {  	_ =	shalt  }
0x53: {  	_ =	shalt  }
0x54: {  	_ =	shalt  }
0x55: {  	_ =	shalt  }
0x56: {  	_ =	shalt  }
0x57: {  	_ =	shalt  }
0x58: {  	_ =	shalt  }
0x59: {  	_ =	shalt  }
0x5a: {  	_ =	shalt  }
0x5b: {  	_ =	shalt  }
0x5c: {  	_ =	shalt  }
0x5d: {  	_ =	shalt  }
0x5e: {  	_ =	shalt  }
0x5f: {  	_ =	shalt  }
0x60: {  	_ =	shalt  }
0x61: {  	_ =	shalt  }
0x62: {  	_ =	shalt  }
0x63: {  	_ =	shalt  }
0x64: {  	_ =	shalt  }
0x65: {  	_ =	shalt  }
0x66: {  	_ =	shalt  }
0x67: {  	_ =	shalt  }
0x68: {  	_ =	shalt  }
0x69: {  	_ =	shalt  }
0x6a: {  	_ =	shalt  }
0x6b: {  	_ =	shalt  }
0x6c: {  	_ =	shalt  }
0x6d: {  	_ =	shalt  }
0x6e: {  	_ =	shalt  }
0x6f: {  	_ =	shalt  }
0x70: {  	_ =	shalt  }
0x71: {  	_ =	shalt  }
0x72: {  	_ =	shalt  }
0x73: {  	_ =	shalt  }
0x74: {  	_ =	shalt  }
0x75: {  	_ =	shalt  }
0x76: {  	_ =	shalt  }
0x77: {  	_ =	shalt  }
0x78: {  	_ =	shalt  }
0x79: {  	_ =	shalt  }
0x7a: {  	_ =	shalt  }
0x7b: {  	_ =	shalt  }
0x7c: {  	_ =	shalt  }
0x7d: {  	_ =	shalt  }
0x7e: {  	_ =	shalt  }
0x7f: {  	_ =	shalt  }
0x80: {  	_ =	shalt  }
0x81: {  	_ =	shalt  }
0x82: {  	_ =	shalt  }
0x83: {  	_ =	shalt  }
0x84: {  	_ =	shalt  }
0x85: {  	_ =	shalt  }
0x86: {  	_ =	shalt  }
0x87: {  	_ =	shalt  }
.Lfunc_end0:
.L_simem_size_0:
called_computation_lowered:
.L_overlay_start_0:
0x88: {  	s2 =	sld [smem:$0x3FD9]  }
0x89: {  	s3 =	sld [smem:$0x3FFE];
	_ =	sdelay $0x1  }
0x8a: {  	s1 =	srdreg.scid  }
0x8b: {  	s0 =	sand.u32 $0x1, s1  }
0x8c: {  	s17 =	sshll.u32 s0, $0xA;
	s2 =	sadd.s32 s3, s2  }
0x8d: {  	s2 =	sadd.s32 s2, s17  }
0x8e: {  	[smem:$0x3FC2] =	sst s2  }
0x8f: {  	_ = 	snop  }
0x90: {  	s2 =	sld [smem:$0x3FD0];
	(tm) =	ssettm $0x1  }
0x91: {  	s18 =	sld [smem:$0x3FFB];
	_ =	sdelay $0x3  }
0x92: {  	_ =	strace s18  }
0x93: {  	s3 =	sld [smem:$0x3FFC];
	_ =	sdelay $0x3  }
0x94: {  	_ =	strace s3  }
0x95: {  	s3 =	sld [smem:$0x3FFD];
	_ =	sdelay $0x3  }
0x96: {  	_ =	strace s3  }
0x97: {  	_ =	strace $0x8FFFFFFF  }
0x98: {  	s19 =	sld [smem:$0x3FDB];
	_ =	sdelay $0x1  }
0x99: {  	s4 =	simm.s32 $_scs_section_size  }
0x9a: {  	s5 =	simm.s32 $_size__tile_overlayer_lowered;
	s6 =	simm.s32 $_tile_overlayer_lowered  }
0x9b: {  	s22 =	simm.s32 $0x1BFF;
	s21 =	sshll.u32 s6, $0x1;
	s3 =	sadd.s32 s4, s19  }
0x9c: {  	s7 =	simm.s32 $0x0;
	s20 =	sshll.u32 s5, $0x1;
	s5 =	sadd.s32 s21, s3  }
0x9d: {  	[timem:s7], [sflag:s22] =	dma.local [hbm:s5], s20  }
0x9e: {  	_ =	swait.ge [sflag:s22], s20  }
0x9f: {  	s4 =	ssub.s32 $0x0, s20;
	[sflag:s22] =	ssyncset.done $0x0  }
0xa0: {  	[sflag:s22] =	ssyncadd.s32 s4;
	_ =	sdelay $0x1  }
0xa1: {  	s23 =	simm.s32 $0x1B8B  }
0xa2: {  	_ =	swait.ge [sflag:s23], $0x1  }
0xa3: {  	[sflag:s23] =	ssyncset.done $0x0  }
0xa4: {  	s25 =	simm.s32 $0x1B8E;
	s24 =	sld [smem:$0x3FFE];
	[sflag:s23] =	ssyncadd.s32 $0xFFFFFFFF  }
0xa5: {  	s26 =	simm.s32 $execute0_lowered;
	[smem:$0x3FD2] =	sst s25  }
0xa6: {  	s5 =	sshll.u32 s26, $0x1;
	_ =	strace $0x80000046;
	[dreg:$0x1] =	wrdreg $0xFFFFFFFF  }
0xa7: {  	s28 =	simm.s32 $_size_execute0_lowered;
	s3 =	sadd.s32 s3, s5;
	[dreg:$0x0] =	wrdreg $0x0  }
0xa8: {  	s5 =	sshll.u32 s28, $0x1;
	[dreg:$0x2] =	wrdreg s3  }
0xa9: {  	[dreg:$0x3] =	wrdreg s5  }
0xaa: {  	[dreg:$0x4] =	wrdreg $0xC0  }
0xab: {  	_ =	task [dreg:s7], $0x5FFFF  }
0xac: {  	[dreg:$0x1] =	wrdreg $0xFFFFFFFF  }
0xad: {  	[dreg:$0x0] =	wrdreg $0x60  }
0xae: {  	[dreg:$0x2] =	wrdreg s2  }
0xaf: {  	[dreg:$0x3] =	wrdreg s24  }
0xb0: {  	[dreg:$0x4] =	wrdreg $0x30000  }
0xb1: {  	[dreg:$0x5] =	wrdreg $0x9  }
0xb2: {  	_ =	task.clear_ibuf [dreg:s7], $0x6FFFF;
	_ =	strace $0x90000046  }
0xb3: {  	s29 =	simm.s32 $0x9;
	_ =	strace $0x80000048  }
0xb4: {  	_ =	swait.ge [sflag:s29], $0x1  }
0xb5: {  	[sflag:s29] =	ssyncadd.s32 $0xFFFFFFFF  }
0xb6: {  	_ =	strace $0x90000048  }
0xb7: {  	_ =	sfence  }
0xb8: {  	s30 =	sld [smem:$0x0];
	_ =	sdelay $0x2  }
0xb9: {  	s31 =	sshll.u32 s1, $0xD;
	s1 =	sshrl.u32 s1, $0x2  }
0xba: {  	s3 =	sand.u32 $0x4000, s31;
	s1 =	sadd.s32 s1, s30  }
0xbb: {  	s0 =	sor.u32 s3, s0;
	s1 =	sshll.u32 s1, $0x11  }
0xbc: {  	s0 =	sor.u32 s1, s0  }
0xbd: {  	s0 =	sadd.s32 $0x8F2B, s0  }
0xbe: {  	[sflag:s0] =	ssyncadd.remote.s32 $0x1  }
0xbf: {  	_ =	sfence.sel $0xFFFF  }
0xc0: {  	[dreg:$0x0] =	wrdreg $0xFFFFFFFF;
	(pc) =	sbr.abs _section_cstart, $3  }
0xc1: {  	[dreg:$0x1] =	wrdreg $0xFFFFFFFF  }
0xc2: {  	_ =	task.clear_ibuf [dreg:s7], $0x2FFFF;
	_ =	strace $0x9FFFFFFF  }
0xc3: {  	(tm) =	ssettm $0x7FFFFFFF  }
tec
execute0_lowered:
.L_overlay_start_1:
0x0: {  	(tag) =	ssettag $0x1  }
0x1: {  	s4 =	rddreg [dreg:$0x0]  }
0x2: {  	s5 =	rddreg [dreg:$0x1]  }
0x3: {  	s2 =	rddreg [dreg:$0x2]  }
0x4: {  	s0 =	rddreg [dreg:$0x3]  }
0x5: {  	s6 =	srdreg.scid;
	s1 =	stileid.u32  }
0x6: {  	s3 =	simm.s32 $0x0;
	s13 =	simm.s32 $0x2800;
	s14 =	simm.s32 $0x80  }
0x7: {  	s17 =	simm.s32 $0x0;
	s6 =	sand.u32 $0x1, s6;
	s7 =	smul.u32 $0x2800, s1  }
0x8: {  	[smem:$0x7FF] =	sst s3;
	s10 =	smul.u32 $0xA000, s1;
	s15 =	sshll.u32 s1, $0x6  }
0x9: {  	s8 =	smul.u32 $0x28000, s6;
	_ =	strace $0x80000047;
	s9 =	sshll.u32 s6, $0x4  }
0xa: {  	s6 =	ssub.s32 $0x2, s6;
	s15 =	sor.u32 $0x1C01, s15;
	s9 =	sor.u32 s1, s9  }
0xb: {  	s11 =	sshrl.u32 s6, $0x1;
	s10 =	sshrl.u32 s10, $0x2;
	s8 =	sadd.s32 s7, s8  }
0xc: {  	s9 =	smul.u32 $0x500, s9;
	s11 =	ssub.s32 s6, s11;
	s10 =	sadd.s32 s10, s2  }
0xd: {  	s8 =	sshrl.u32 s8, $0x3;
	s6 =	sadd.s32 $0x800, s10;
	s11 =	smax.u32 s11, $0x1  }
0xe: {  	s12 =	sadd.s32 s8, s5;
	s4 =	sadd.s32 s4, s9;
	s5 =	sadd.s32 s7, s2  }
0xf: {  	s7 =	sadd.s32 $0x1000, s10;
	s8 =	sadd.s32 $0x1800, s10;
	s9 =	sadd.s32 $0x2000, s10  }
0x10: {  	v0 =	vimm.f32 $0.0e+00;
	v1 =	vimm.f32 $1.000000000e+00;
	s10 =	sadd.s32 $0x1E00, s12;
	s12 =	simm.s32 $0x1;
	s16 =	sshrl.u32 s5, $0x3  }
.LBB2_1:
0x11: {  	[tilespmem:s3], [sflag:$0x1] =	stream.linear.gather [hbm4b:s4+s3], $0x2800, $0x38;
	[tilespmem:$0x5800] =	vst v63  }
0x12: {  	_ =	swait.ge [sflag:s12], $0x2800  }
0x13: {  	[sflag:s12] =	ssyncset.done $0x0  }
0x14: {  	s18 =	simm.s32 $0x40;
	s19 =	simm.s32 $0x0;
	[sflag:s12] =	ssyncadd.s32 $0xFFFFD800  }
.LBB2_2:
0x15: {  	p0 =	sne.s32 s18, $0x1FC0;
	[tilespmem:s19+$0x2800] =	vst v0;
	s19 =	smov.u32 s18;
	s18 =	sadd.s32 $0x40, s18  }
.Ltmp0:
0x16: {  	(pc) =	sbr.rel @p0 .LBB2_2-.Ltmp0, $2  }
0x17: {  	_ =	sdelay $0x2  }
0x18: {  	s19 =	sshra.s32 s19, $0x2  }
0x19: {  	[tilespmem:s19+$0x2800] =	vst v0  }
0x1a: {  	[spmem:s5] =	stream.linear.scatter [tilespmem:s13], [sflag:$0x1], $0x800, $0x38;
	[tilespmem:$0x5800] =	vst v63  }
0x1b: {  	_ =	swait.ge [sflag:s12], $0x800  }
0x1c: {  	[sflag:s12] =	ssyncset.done $0x0  }
0x1d: {  	[sflag:s12] =	ssyncadd.s32 $0xFFFFF800  }
0x1e: {  	[spmem:s6] =	stream.linear.scatter [tilespmem:s13], [sflag:$0x1], $0x800, $0x38;
	[tilespmem:$0x5800] =	vst v63  }
0x1f: {  	_ =	swait.ge [sflag:s12], $0x800  }
0x20: {  	[sflag:s12] =	ssyncset.done $0x0  }
0x21: {  	[sflag:s12] =	ssyncadd.s32 $0xFFFFF800  }
0x22: {  	[spmem:s7] =	stream.linear.scatter [tilespmem:s13], [sflag:$0x1], $0x800, $0x38;
	[tilespmem:$0x5800] =	vst v63  }
0x23: {  	_ =	swait.ge [sflag:s12], $0x800  }
0x24: {  	[sflag:s12] =	ssyncset.done $0x0  }
0x25: {  	[sflag:s12] =	ssyncadd.s32 $0xFFFFF800  }
0x26: {  	[spmem:s8] =	stream.linear.scatter [tilespmem:s13], [sflag:$0x1], $0x800, $0x38;
	[tilespmem:$0x5800] =	vst v63  }
0x27: {  	_ =	swait.ge [sflag:s12], $0x800  }
0x28: {  	[sflag:s12] =	ssyncset.done $0x0  }
0x29: {  	[sflag:s12] =	ssyncadd.s32 $0xFFFFF800  }
0x2a: {  	[spmem:s9] =	stream.linear.scatter [tilespmem:s13], [sflag:$0x1], $0x800, $0x38;
	[tilespmem:$0x5800] =	vst v63  }
0x2b: {  	_ =	swait.ge [sflag:s12], $0x800  }
0x2c: {  	[sflag:s12] =	ssyncset.done $0x0  }
0x2d: {  	s18 =	simm.s32 $0x40;
	s19 =	simm.s32 $0x0;
	[sflag:s12] =	ssyncadd.s32 $0xFFFFF800  }
.LBB2_4:
0x2e: {  	p0 =	sne.s32 s18, $0x1FC0;
	[tilespmem:s19+$0x2800] =	vst v1;
	s19 =	smov.u32 s18;
	s18 =	sadd.s32 $0x40, s18  }
.Ltmp1:
0x2f: {  	(pc) =	sbr.rel @p0 .LBB2_4-.Ltmp1, $2  }
0x30: {  	_ =	sdelay $0x2  }
0x31: {  	s19 =	sshra.s32 s19, $0x2  }
0x32: {  	[tilespmem:s19+$0x2800] =	vst v1  }
0x33: {  	s18 =	simm.s32 $0x0;
	[bflag:$0x0] =	sbarrier.arrive $0xFFFF  }
0x34: {  	[spmem:s2] =	stream.indirect.scatter.add.f32 [tilespmem:s13], [sflag:$0x1], $0x10, s18, s14, $0xb8;
	[tilespmem:$0x5800] =	vst v63  }
0x35: {  	_ =	swait.ge [sflag:s12], $0x800  }
0x36: {  	s18 =	simm.s32 $0x200;
	[sflag:s12] =	ssyncset.done $0x0  }
.LBB2_6:
0x37: {  	s19 =	sshra.s32 s18, $0x2;
	[sflag:s12] =	ssyncadd.s32 $0xFFFFF800;
	p0 =	sne.s32 s18, $0x9E00  }
0x38: {  	[spmem:s2] =	stream.indirect.scatter.add.f32 [tilespmem:s13], [sflag:$0x1], $0x10, s19, s14, $0xb8;
	[tilespmem:$0x5800] =	vst v63  }
.Ltmp2:
0x39: {  	_ = 	snop;
	(pc) =	sbr.rel @p0 .LBB2_6-.Ltmp2, $4  }
0x3a: {  	_ = 	snop  }
0x3b: {  	s18 =	sadd.s32 $0x200, s18  }
0x3c: {  	_ =	swait.ge [sflag:s12], $0x800  }
0x3d: {  	[sflag:s12] =	ssyncset.done $0x0  }
0x3e: {  	s17 =	sadd.s32 $0x1, s17  }
0x3f: {  	[sflag:s12] =	ssyncadd.s32 $0xFFFFF800;
	p0 =	sne.s32 s17, s11  }
.Ltmp3:
0x40: {  	[bflag:$0x0] =	sbarrier.arrive $0xFFFF;
	(pc) =	sbr.rel @p0 .LBB2_1-.Ltmp3, $4  }
0x41: {  	[hbm:s10], [sflag:s15] =	dma.local [spmem:s16], $0x500  }
0x42: {  	_ =	swait.ge [sflag:s12], $0x500  }
0x43: {  	[sflag:s12] =	ssyncset.done $0x0  }
0x44: {  	[sflag:s12] =	ssyncadd.s32 $0xFFFFFB00  }
0x45: {  	_ =	sfence.sel $0x180000  }
0x46: {  	[bflag:$0x0] =	sbarrier.arrive $0xFFFF  }
0x47: {  	p0 =	sne.s32 s1, $0x0;
	_ =	strace $0x90000047  }
0x48: {  	s0 =	sadd.s32 @!p0 $0x100000, s0;
	[bflag:$0x2] =	sbarrier.arrive $0xFFFF  }
0x49: {  	[sflag:s0] =	ssyncadd.tile.s32 @!p0 $0x1;
	_ =	shalt  }
.Lfunc_end2:
_tile_overlayer_lowered:
.L_overlay_start_2:
0x4a: {  	(tag) =	ssettag $0x2  }
0x4b: {  	s0 =	rddreg [dreg:$0x0];
	s2 =	stileid.u32  }
0x4c: {  	s1 =	rddreg [dreg:$0x1];
	p0 =	sne.s32 s2, $0x0  }
0x4d: {  	s3 =	rddreg [dreg:$0x2];
	[bflag:$0x3] =	sbarrier.arrive $0xFFFF;
	s2 =	simm.s32 @!p0 $0x1C01  }
0x4e: {  	[timem:s3], [sflag:s2] =	dma.local @!p0 [hbm:s0], s1  }
0x4f: {  	s0 =	simm.s32 @!p0 $0x1  }
0x50: {  	_ =	swait.ge @!p0 [sflag:s0], s1  }
0x51: {  	s1 =	ssub.s32 @!p0 $0x0, s1;
	[sflag:s0] =	ssyncset.done @!p0 $0x0  }
0x52: {  	[sflag:s0] =	ssyncadd.s32 @!p0 s1  }
0x53: {  	[bflag:$0x3] =	sbarrier.arrive $0xFFFF  }
0x54: {  	_ =	shalt  }

</sc_bundles>
